<compile_context>
chip_gen: v7x
topology: tpu7x:2x2x1
jax: 0.10.2.dev20260603
libtpu: 0.0.44.dev20260713+nightly
codegen_flags: <defaults>
</compile_context>

<pallas_src>
import functools

import jax
import jax.numpy as jnp
from jax import lax
from jax.experimental import pallas as pl
from jax.experimental.pallas import tpu as pltpu
from jax.experimental.pallas import tpu_sc as plsc

_NROWS = 16384
_NIN = 3328
_NOUT = 2048
_W0 = 1024
_S1 = 2304
_W1 = 1024

_NC = 2
_NS = 16
_NW = _NC * _NS
_RPW = _NROWS // _NW
_R = 16
_NB = 2
_NCHUNK = _RPW // _R
_NPAIR = _NCHUNK // 2


@functools.partial(
    pl.kernel,
    mesh=plsc.VectorSubcoreMesh(core_axis_name="c", subcore_axis_name="s"),
    out_type=jax.ShapeDtypeStruct((_NROWS, _NOUT), jnp.float32),
    scratch_types=(
        [pltpu.VMEM((_NB, _R, _NOUT), jnp.float32),
         pltpu.VMEM_SHARED((_NS, _NB, _R, _NOUT), jnp.float32)]
        + [pltpu.SemaphoreType.DMA] * (4 * _NB)
    ),
)
def _route(feat, out, vbuf, shbuf, *sems):
    cid = lax.axis_index("c")
    sid = lax.axis_index("s")
    wid = sid * _NC + cid
    base = wid * _RPW
    vsin = sems[0:_NB]
    vsout = sems[_NB:2 * _NB]
    ssin = sems[2 * _NB:3 * _NB]
    ssout = sems[3 * _NB:4 * _NB]

    def mk(i, b, ring):
        r0 = base + i * _R
        if ring == 0:
            dst = vbuf.at[b]
            sin, sout = vsin[b], vsout[b]
        else:
            dst = shbuf.at[sid, b]
            sin, sout = ssin[b], ssout[b]
        ca = pltpu.make_async_copy(
            feat.at[pl.ds(r0, _R), pl.ds(0, _W0)], dst.at[:, pl.ds(0, _W0)],
            sin)
        cb = pltpu.make_async_copy(
            feat.at[pl.ds(r0, _R), pl.ds(_S1, _W1)], dst.at[:, pl.ds(_W0, _W1)],
            sin)
        co = pltpu.make_async_copy(dst, out.at[pl.ds(r0, _R)], sout)
        return ca, cb, co

    def chunk_of(g, ring):
        return 2 * g + ring

    for g0 in range(_NB):
        for ring in range(2):
            ca, cb, _ = mk(chunk_of(g0, ring), g0, ring)
            ca.start()
            cb.start()

    def grp(g, carry):
        for b in range(_NB):
            p = g * _NB + b
            for ring in range(2):
                ca, cb, co = mk(chunk_of(p, ring), b, ring)
                ca.wait()
                cb.wait()
                co.start()
            jb = (b - 1) % _NB

            @pl.when((p >= 1) & (p - 1 + _NB < _NPAIR))
            def _prefetch():
                for ring in range(2):
                    _, _, po = mk(chunk_of(p - 1, ring), jb, ring)
                    po.wait()
                    na, nb_, _ = mk(chunk_of(p - 1 + _NB, ring), jb, ring)
                    na.start()
                    nb_.start()
        return carry

    lax.fori_loop(0, _NPAIR // _NB, grp, 0)

    for b in range(_NB):
        for ring in range(2):
            _, _, co = mk(chunk_of(_NPAIR - _NB + b, ring), b, ring)
            co.wait()


def kernel(features, idx):
    del idx
    return _route(features)

# --- scband reference (transcript-rebuilt; emitter-appended) ---
"""Pipeline reference for scband-feature-router-47717086658742 (READ-ONLY COPY).

The authoritative reference and input builder live on the scoring server;
editing this copy changes nothing except your own understanding.
"""

import jax, jax.numpy as jnp
import numpy as np

GROUP_RANGES = {"user": (0, 1024), "context": (1024, 2304), "item": (2304, 3328)}
EXPERT_GROUPS = ["user", "item"]  # routing for expert 'expert_a' (non-contiguous groups)


def _build_idx():
    # Mirror FeatureRouter.__init__: sort slices by start, expand to flat column indices
    slices = sorted((GROUP_RANGES[g] for g in EXPERT_GROUPS), key=lambda s: s[0])
    idx = []
    for start, end in slices:
        idx.extend(range(start, end))
    return jnp.asarray(np.array(idx, dtype=np.int32))


def setup_inputs(seed: int = 0) -> dict:
    key = jax.random.key(seed)
    features = jax.random.normal(key, (16384, 3328), dtype=jnp.float32)
    return {"features": features, "idx": _build_idx()}


def reference(features, idx):
    # FeatureRouter.route(features, 'expert_a') -> features[:, idx]
    # Column gather over non-contiguous group ranges [0,1024) U [2304,3328)
    return jnp.take(features, idx, axis=1)

if __name__ == "__main__":
    import jax
    _d = setup_inputs()
    print(jax.jit(kernel)(*tuple(_d.values())))

</pallas_src>

<mosaic_0001>
#map = affine_map<(d0, d1) -> (0, 0)>
module attributes {stable_mosaic.version = 14 : i64} {
  func.func @_route(%arg0: i32, %arg1: i32, %arg2: memref<16384x3328xf32, #tpu.memory_space<hbm>>, %arg3: memref<16384x2048xf32, #tpu.memory_space<hbm>>, %arg4: memref<2x16x2048xf32, #tpu.memory_space<vmem>>, %arg5: memref<16x2x16x2048xf32, #tpu.memory_space<vmem_shared>>, %arg6: memref<!tpu.dma_semaphore, #tpu.memory_space<semaphore_mem>>, %arg7: memref<!tpu.dma_semaphore, #tpu.memory_space<semaphore_mem>>, %arg8: memref<!tpu.dma_semaphore, #tpu.memory_space<semaphore_mem>>, %arg9: memref<!tpu.dma_semaphore, #tpu.memory_space<semaphore_mem>>, %arg10: memref<!tpu.dma_semaphore, #tpu.memory_space<semaphore_mem>>, %arg11: memref<!tpu.dma_semaphore, #tpu.memory_space<semaphore_mem>>, %arg12: memref<!tpu.dma_semaphore, #tpu.memory_space<semaphore_mem>>, %arg13: memref<!tpu.dma_semaphore, #tpu.memory_space<semaphore_mem>>) attributes {dimension_semantics = [#tpu.dimension_semantics<core_parallel>, #tpu.dimension_semantics<subcore_parallel>], iteration_bounds = array<i64: 2, 16>, scalar_prefetch = 0 : i64, scratch_operands = 10 : i64, tpu.core_type = #tpu.core_type<sc_vector_subcore>, window_params = [{transform_indices = #map}, {transform_indices = #map}]} {
    %mul3A = arith.constant 2 : i32
    %mul3A_0 = arith.muli %arg1, %mul3A : i32
    %add3A = arith.addi %mul3A_0, %arg0 : i32
    %mul3A_1 = arith.constant 512 : i32
    %mul3A_2 = arith.muli %add3A, %mul3A_1 : i32
    %add3A_3 = arith.constant 0 : i32
    %add3A_4 = arith.addi %mul3A_2, %add3A_3 : i32
    %dma_start3A = arith.constant 0 : i32
    %dma_start3A_5 = arith.constant 0 : i32
    %dma_start3A_6 = arith.constant 0 : i32
    %dma_start3A_7 = tpu.memref_slice %arg4[%dma_start3A, %dma_start3A_5, %dma_start3A_6] : memref<2x16x2048xf32, #tpu.memory_space<vmem>> -> memref<1x16x2048xf32, #tpu.memory_space<vmem>>
    %dma_start3A_8 = tpu.memref_squeeze %dma_start3A_7 : memref<1x16x2048xf32, #tpu.memory_space<vmem>> -> memref<16x2048xf32, #tpu.memory_space<vmem>>
    %dma_start3A_9 = arith.constant 0 : i32
    %dma_start3A_10 = arith.constant 0 : i32
    %dma_start3A_11 = tpu.memref_slice %dma_start3A_8[%dma_start3A_9, %dma_start3A_10] : memref<16x2048xf32, #tpu.memory_space<vmem>> -> memref<16x1024xf32, #tpu.memory_space<vmem>>
    %dma_start3A_12 = arith.constant 0 : i32
    %dma_start3A_13 = tpu.memref_slice %arg2[%add3A_4, %dma_start3A_12] : memref<16384x3328xf32, #tpu.memory_space<hbm>> -> memref<16x1024xf32, #tpu.memory_space<hbm>>
    %dma_start3A_14 = arith.constant 0 : i32
    %dma_start3A_15 = arith.constant 0 : i32
    %dma_start3A_16 = tpu.memref_slice %arg4[%dma_start3A, %dma_start3A_14, %dma_start3A_15] : memref<2x16x2048xf32, #tpu.memory_space<vmem>> -> memref<1x16x2048xf32, #tpu.memory_space<vmem>>
    %dma_start3A_17 = tpu.memref_squeeze %dma_start3A_16 : memref<1x16x2048xf32, #tpu.memory_space<vmem>> -> memref<16x2048xf32, #tpu.memory_space<vmem>>
    %dma_start3A_18 = arith.constant 0 : i32
    %dma_start3A_19 = arith.constant 0 : i32
    %dma_start3A_20 = tpu.memref_slice %dma_start3A_17[%dma_start3A_18, %dma_start3A_19] : memref<16x2048xf32, #tpu.memory_space<vmem>> -> memref<16x1024xf32, #tpu.memory_space<vmem>>
    %dma_start3A_21 = arith.constant 0 : i32
    %dma_start3A_22 = tpu.memref_slice %arg2[%add3A_4, %dma_start3A_21] : memref<16384x3328xf32, #tpu.memory_space<hbm>> -> memref<16x1024xf32, #tpu.memory_space<hbm>>
    tpu.enqueue_dma source(%dma_start3A_22 : memref<16x1024xf32, #tpu.memory_space<hbm>>) target(%dma_start3A_20 : memref<16x1024xf32, #tpu.memory_space<vmem>>) target_semaphore(%arg6 : memref<!tpu.dma_semaphore, #tpu.memory_space<semaphore_mem>>)
    %dma_start3A_23 = arith.constant 0 : i32
    %dma_start3A_24 = arith.constant 0 : i32
    %dma_start3A_25 = arith.constant 0 : i32
    %dma_start3A_26 = tpu.memref_slice %arg4[%dma_start3A_23, %dma_start3A_24, %dma_start3A_25] : memref<2x16x2048xf32, #tpu.memory_space<vmem>> -> memref<1x16x2048xf32, #tpu.memory_space<vmem>>
    %dma_start3A_27 = tpu.memref_squeeze %dma_start3A_26 : memref<1x16x2048xf32, #tpu.memory_space<vmem>> -> memref<16x2048xf32, #tpu.memory_space<vmem>>
    %dma_start3A_28 = arith.constant 0 : i32
    %dma_start3A_29 = arith.constant 1024 : i32
    %dma_start3A_30 = tpu.memref_slice %dma_start3A_27[%dma_start3A_28, %dma_start3A_29] : memref<16x2048xf32, #tpu.memory_space<vmem>> -> memref<16x1024xf32, #tpu.memory_space<vmem>>
    %dma_start3A_31 = arith.constant 2304 : i32
    %dma_start3A_32 = tpu.memref_slice %arg2[%add3A_4, %dma_start3A_31] : memref<16384x3328xf32, #tpu.memory_space<hbm>> -> memref<16x1024xf32, #tpu.memory_space<hbm>>
    %dma_start3A_33 = arith.constant 0 : i32
    %dma_start3A_34 = arith.constant 0 : i32
    %dma_start3A_35 = tpu.memref_slice %arg4[%dma_start3A_23, %dma_start3A_33, %dma_start3A_34] : memref<2x16x2048xf32, #tpu.memory_space<vmem>> -> memref<1x16x2048xf32, #tpu.memory_space<vmem>>
    %dma_start3A_36 = tpu.memref_squeeze %dma_start3A_35 : memref<1x16x2048xf32, #tpu.memory_space<vmem>> -> memref<16x2048xf32, #tpu.memory_space<vmem>>
    %dma_start3A_37 = arith.constant 0 : i32
    %dma_start3A_38 = arith.constant 1024 : i32
    %dma_start3A_39 = tpu.memref_slice %dma_start3A_36[%dma_start3A_37, %dma_start3A_38] : memref<16x2048xf32, #tpu.memory_space<vmem>> -> memref<16x1024xf32, #tpu.memory_space<vmem>>
    %dma_start3A_40 = arith.constant 2304 : i32
    %dma_start3A_41 = tpu.memref_slice %arg2[%add3A_4, %dma_start3A_40] : memref<16384x3328xf32, #tpu.memory_space<hbm>> -> memref<16x1024xf32, #tpu.memory_space<hbm>>
    tpu.enqueue_dma source(%dma_start3A_41 : memref<16x1024xf32, #tpu.memory_space<hbm>>) target(%dma_start3A_39 : memref<16x1024xf32, #tpu.memory_space<vmem>>) target_semaphore(%arg6 : memref<!tpu.dma_semaphore, #tpu.memory_space<semaphore_mem>>)
    %add3A_42 = arith.constant 16 : i32
    %add3A_43 = arith.addi %mul3A_2, %add3A_42 : i32
    %dma_start3A_44 = arith.constant 0 : i32
    %dma_start3A_45 = arith.constant 0 : i32
    %dma_start3A_46 = arith.constant 0 : i32
    %dma_start3A_47 = tpu.memref_slice %arg5[%arg1, %dma_start3A_44, %dma_start3A_45, %dma_start3A_46] : memref<16x2x16x2048xf32, #tpu.memory_space<vmem_shared>> -> memref<1x1x16x2048xf32, #tpu.memory_space<vmem_shared>>
    %dma_start3A_48 = tpu.memref_squeeze %dma_start3A_47 : memref<1x1x16x2048xf32, #tpu.memory_space<vmem_shared>> -> memref<16x2048xf32, #tpu.memory_space<vmem_shared>>
    %dma_start3A_49 = arith.constant 0 : i32
    %dma_start3A_50 = arith.constant 0 : i32
    %dma_start3A_51 = tpu.memref_slice %dma_start3A_48[%dma_start3A_49, %dma_start3A_50] : memref<16x2048xf32, #tpu.memory_space<vmem_shared>> -> memref<16x1024xf32, #tpu.memory_space<vmem_shared>>
    %dma_start3A_52 = arith.constant 0 : i32
    %dma_start3A_53 = tpu.memref_slice %arg2[%add3A_43, %dma_start3A_52] : memref<16384x3328xf32, #tpu.memory_space<hbm>> -> memref<16x1024xf32, #tpu.memory_space<hbm>>
    tpu.enqueue_dma source(%dma_start3A_53 : memref<16x1024xf32, #tpu.memory_space<hbm>>) target(%dma_start3A_51 : memref<16x1024xf32, #tpu.memory_space<vmem_shared>>) target_semaphore(%arg10 : memref<!tpu.dma_semaphore, #tpu.memory_space<semaphore_mem>>)
    %dma_start3A_54 = arith.constant 0 : i32
    %dma_start3A_55 = arith.constant 0 : i32
    %dma_start3A_56 = arith.constant 0 : i32
    %dma_start3A_57 = tpu.memref_slice %arg5[%arg1, %dma_start3A_54, %dma_start3A_55, %dma_start3A_56] : memref<16x2x16x2048xf32, #tpu.memory_space<vmem_shared>> -> memref<1x1x16x2048xf32, #tpu.memory_space<vmem_shared>>
    %dma_start3A_58 = tpu.memref_squeeze %dma_start3A_57 : memref<1x1x16x2048xf32, #tpu.memory_space<vmem_shared>> -> memref<16x2048xf32, #tpu.memory_space<vmem_shared>>
    %dma_start3A_59 = arith.constant 0 : i32
    %dma_start3A_60 = arith.constant 1024 : i32
    %dma_start3A_61 = tpu.memref_slice %dma_start3A_58[%dma_start3A_59, %dma_start3A_60] : memref<16x2048xf32, #tpu.memory_space<vmem_shared>> -> memref<16x1024xf32, #tpu.memory_space<vmem_shared>>
    %dma_start3A_62 = arith.constant 2304 : i32
    %dma_start3A_63 = tpu.memref_slice %arg2[%add3A_43, %dma_start3A_62] : memref<16384x3328xf32, #tpu.memory_space<hbm>> -> memref<16x1024xf32, #tpu.memory_space<hbm>>
    tpu.enqueue_dma source(%dma_start3A_63 : memref<16x1024xf32, #tpu.memory_space<hbm>>) target(%dma_start3A_61 : memref<16x1024xf32, #tpu.memory_space<vmem_shared>>) target_semaphore(%arg10 : memref<!tpu.dma_semaphore, #tpu.memory_space<semaphore_mem>>)
    %add3A_64 = arith.constant 32 : i32
    %add3A_65 = arith.addi %mul3A_2, %add3A_64 : i32
    %dma_start3A_66 = arith.constant 1 : i32
    %dma_start3A_67 = arith.constant 0 : i32
    %dma_start3A_68 = arith.constant 0 : i32
    %dma_start3A_69 = tpu.memref_slice %arg4[%dma_start3A_66, %dma_start3A_67, %dma_start3A_68] : memref<2x16x2048xf32, #tpu.memory_space<vmem>> -> memref<1x16x2048xf32, #tpu.memory_space<vmem>>
    %dma_start3A_70 = tpu.memref_squeeze %dma_start3A_69 : memref<1x16x2048xf32, #tpu.memory_space<vmem>> -> memref<16x2048xf32, #tpu.memory_space<vmem>>
    %dma_start3A_71 = arith.constant 0 : i32
    %dma_start3A_72 = arith.constant 0 : i32
    %dma_start3A_73 = tpu.memref_slice %dma_start3A_70[%dma_start3A_71, %dma_start3A_72] : memref<16x2048xf32, #tpu.memory_space<vmem>> -> memref<16x1024xf32, #tpu.memory_space<vmem>>
    %dma_start3A_74 = arith.constant 0 : i32
    %dma_start3A_75 = tpu.memref_slice %arg2[%add3A_65, %dma_start3A_74] : memref<16384x3328xf32, #tpu.memory_space<hbm>> -> memref<16x1024xf32, #tpu.memory_space<hbm>>
    %dma_start3A_76 = arith.constant 0 : i32
    %dma_start3A_77 = arith.constant 0 : i32
    %dma_start3A_78 = tpu.memref_slice %arg4[%dma_start3A_66, %dma_start3A_76, %dma_start3A_77] : memref<2x16x2048xf32, #tpu.memory_space<vmem>> -> memref<1x16x2048xf32, #tpu.memory_space<vmem>>
    %dma_start3A_79 = tpu.memref_squeeze %dma_start3A_78 : memref<1x16x2048xf32, #tpu.memory_space<vmem>> -> memref<16x2048xf32, #tpu.memory_space<vmem>>
    %dma_start3A_80 = arith.constant 0 : i32
    %dma_start3A_81 = arith.constant 0 : i32
    %dma_start3A_82 = tpu.memref_slice %dma_start3A_79[%dma_start3A_80, %dma_start3A_81] : memref<16x2048xf32, #tpu.memory_space<vmem>> -> memref<16x1024xf32, #tpu.memory_space<vmem>>
    %dma_start3A_83 = arith.constant 0 : i32
    %dma_start3A_84 = tpu.memref_slice %arg2[%add3A_65, %dma_start3A_83] : memref<16384x3328xf32, #tpu.memory_space<hbm>> -> memref<16x1024xf32, #tpu.memory_space<hbm>>
    tpu.enqueue_dma source(%dma_start3A_84 : memref<16x1024xf32, #tpu.memory_space<hbm>>) target(%dma_start3A_82 : memref<16x1024xf32, #tpu.memory_space<vmem>>) target_semaphore(%arg7 : memref<!tpu.dma_semaphore, #tpu.memory_space<semaphore_mem>>)
    %dma_start3A_85 = arith.constant 1 : i32
    %dma_start3A_86 = arith.constant 0 : i32
    %dma_start3A_87 = arith.constant 0 : i32
    %dma_start3A_88 = tpu.memref_slice %arg4[%dma_start3A_85, %dma_start3A_86, %dma_start3A_87] : memref<2x16x2048xf32, #tpu.memory_space<vmem>> -> memref<1x16x2048xf32, #tpu.memory_space<vmem>>
    %dma_start3A_89 = tpu.memref_squeeze %dma_start3A_88 : memref<1x16x2048xf32, #tpu.memory_space<vmem>> -> memref<16x2048xf32, #tpu.memory_space<vmem>>
    %dma_start3A_90 = arith.constant 0 : i32
    %dma_start3A_91 = arith.constant 1024 : i32
    %dma_start3A_92 = tpu.memref_slice %dma_start3A_89[%dma_start3A_90, %dma_start3A_91] : memref<16x2048xf32, #tpu.memory_space<vmem>> -> memref<16x1024xf32, #tpu.memory_space<vmem>>
    %dma_start3A_93 = arith.constant 2304 : i32
    %dma_start3A_94 = tpu.memref_slice %arg2[%add3A_65, %dma_start3A_93] : memref<16384x3328xf32, #tpu.memory_space<hbm>> -> memref<16x1024xf32, #tpu.memory_space<hbm>>
    %dma_start3A_95 = arith.constant 0 : i32
    %dma_start3A_96 = arith.constant 0 : i32
    %dma_start3A_97 = tpu.memref_slice %arg4[%dma_start3A_85, %dma_start3A_95, %dma_start3A_96] : memref<2x16x2048xf32, #tpu.memory_space<vmem>> -> memref<1x16x2048xf32, #tpu.memory_space<vmem>>
    %dma_start3A_98 = tpu.memref_squeeze %dma_start3A_97 : memref<1x16x2048xf32, #tpu.memory_space<vmem>> -> memref<16x2048xf32, #tpu.memory_space<vmem>>
    %dma_start3A_99 = arith.constant 0 : i32
    %dma_start3A_100 = arith.constant 1024 : i32
    %dma_start3A_101 = tpu.memref_slice %dma_start3A_98[%dma_start3A_99, %dma_start3A_100] : memref<16x2048xf32, #tpu.memory_space<vmem>> -> memref<16x1024xf32, #tpu.memory_space<vmem>>
    %dma_start3A_102 = arith.constant 2304 : i32
    %dma_start3A_103 = tpu.memref_slice %arg2[%add3A_65, %dma_start3A_102] : memref<16384x3328xf32, #tpu.memory_space<hbm>> -> memref<16x1024xf32, #tpu.memory_space<hbm>>
    tpu.enqueue_dma source(%dma_start3A_103 : memref<16x1024xf32, #tpu.memory_space<hbm>>) target(%dma_start3A_101 : memref<16x1024xf32, #tpu.memory_space<vmem>>) target_semaphore(%arg7 : memref<!tpu.dma_semaphore, #tpu.memory_space<semaphore_mem>>)
    %add3A_104 = arith.constant 48 : i32
    %add3A_105 = arith.addi %mul3A_2, %add3A_104 : i32
    %dma_start3A_106 = arith.constant 1 : i32
    %dma_start3A_107 = arith.constant 0 : i32
    %dma_start3A_108 = arith.constant 0 : i32
    %dma_start3A_109 = tpu.memref_slice %arg5[%arg1, %dma_start3A_106, %dma_start3A_107, %dma_start3A_108] : memref<16x2x16x2048xf32, #tpu.memory_space<vmem_shared>> -> memref<1x1x16x2048xf32, #tpu.memory_space<vmem_shared>>
    %dma_start3A_110 = tpu.memref_squeeze %dma_start3A_109 : memref<1x1x16x2048xf32, #tpu.memory_space<vmem_shared>> -> memref<16x2048xf32, #tpu.memory_space<vmem_shared>>
    %dma_start3A_111 = arith.constant 0 : i32
    %dma_start3A_112 = arith.constant 0 : i32
    %dma_start3A_113 = tpu.memref_slice %dma_start3A_110[%dma_start3A_111, %dma_start3A_112] : memref<16x2048xf32, #tpu.memory_space<vmem_shared>> -> memref<16x1024xf32, #tpu.memory_space<vmem_shared>>
    %dma_start3A_114 = arith.constant 0 : i32
    %dma_start3A_115 = tpu.memref_slice %arg2[%add3A_105, %dma_start3A_114] : memref<16384x3328xf32, #tpu.memory_space<hbm>> -> memref<16x1024xf32, #tpu.memory_space<hbm>>
    tpu.enqueue_dma source(%dma_start3A_115 : memref<16x1024xf32, #tpu.memory_space<hbm>>) target(%dma_start3A_113 : memref<16x1024xf32, #tpu.memory_space<vmem_shared>>) target_semaphore(%arg11 : memref<!tpu.dma_semaphore, #tpu.memory_space<semaphore_mem>>)
    %dma_start3A_116 = arith.constant 1 : i32
    %dma_start3A_117 = arith.constant 0 : i32
    %dma_start3A_118 = arith.constant 0 : i32
    %dma_start3A_119 = tpu.memref_slice %arg5[%arg1, %dma_start3A_116, %dma_start3A_117, %dma_start3A_118] : memref<16x2x16x2048xf32, #tpu.memory_space<vmem_shared>> -> memref<1x1x16x2048xf32, #tpu.memory_space<vmem_shared>>
    %dma_start3A_120 = tpu.memref_squeeze %dma_start3A_119 : memref<1x1x16x2048xf32, #tpu.memory_space<vmem_shared>> -> memref<16x2048xf32, #tpu.memory_space<vmem_shared>>
    %dma_start3A_121 = arith.constant 0 : i32
    %dma_start3A_122 = arith.constant 1024 : i32
    %dma_start3A_123 = tpu.memref_slice %dma_start3A_120[%dma_start3A_121, %dma_start3A_122] : memref<16x2048xf32, #tpu.memory_space<vmem_shared>> -> memref<16x1024xf32, #tpu.memory_space<vmem_shared>>
    %dma_start3A_124 = arith.constant 2304 : i32
    %dma_start3A_125 = tpu.memref_slice %arg2[%add3A_105, %dma_start3A_124] : memref<16384x3328xf32, #tpu.memory_space<hbm>> -> memref<16x1024xf32, #tpu.memory_space<hbm>>
    tpu.enqueue_dma source(%dma_start3A_125 : memref<16x1024xf32, #tpu.memory_space<hbm>>) target(%dma_start3A_123 : memref<16x1024xf32, #tpu.memory_space<vmem_shared>>) target_semaphore(%arg11 : memref<!tpu.dma_semaphore, #tpu.memory_space<semaphore_mem>>)
    %scan3A = arith.constant 0 : i32
    %scan3A_126 = arith.constant 0 : i32
    %scan3A_127 = arith.constant 8 : i32
    %scan3A_128 = arith.addi %scan3A_126, %scan3A_127 : i32
    %scan3A_129 = arith.constant 1 : i32
    scf.for %scan3A_178 = %scan3A_126 to %scan3A_128 step %scan3A_129  : i32 {
      %mul3A_179 = arith.constant 2 : i32
      %mul3A_180 = arith.muli %scan3A_178, %mul3A_179 : i32
      %add3A_181 = arith.constant 0 : i32
      %add3A_182 = arith.addi %mul3A_180, %add3A_181 : i32
      %mul3A_183 = arith.constant 2 : i32
      %mul3A_184 = arith.muli %mul3A_183, %add3A_182 : i32
      %add3A_185 = arith.constant 0 : i32
      %add3A_186 = arith.addi %mul3A_184, %add3A_185 : i32
      %mul3A_187 = arith.constant 16 : i32
      %mul3A_188 = arith.muli %add3A_186, %mul3A_187 : i32
      %add3A_189 = arith.addi %mul3A_2, %mul3A_188 : i32
      %dma_wait3A_190 = arith.constant 0 : i32
      %dma_wait3A_191 = arith.constant 0 : i32
      %dma_wait3A_192 = arith.constant 0 : i32
      %dma_wait3A_193 = tpu.memref_slice %arg4[%dma_wait3A_190, %dma_wait3A_191, %dma_wait3A_192] : memref<2x16x2048xf32, #tpu.memory_space<vmem>> -> memref<1x16x2048xf32, #tpu.memory_space<vmem>>
      %dma_wait3A_194 = tpu.memref_squeeze %dma_wait3A_193 : memref<1x16x2048xf32, #tpu.memory_space<vmem>> -> memref<16x2048xf32, #tpu.memory_space<vmem>>
      %dma_wait3A_195 = arith.constant 0 : i32
      %dma_wait3A_196 = arith.constant 0 : i32
      %dma_wait3A_197 = tpu.memref_slice %dma_wait3A_194[%dma_wait3A_195, %dma_wait3A_196] : memref<16x2048xf32, #tpu.memory_space<vmem>> -> memref<16x1024xf32, #tpu.memory_space<vmem>>
      %dma_wait3A_198 = arith.constant 0 : i32
      %dma_wait3A_199 = tpu.memref_slice %arg2[%add3A_189, %dma_wait3A_198] : memref<16384x3328xf32, #tpu.memory_space<hbm>> -> memref<16x1024xf32, #tpu.memory_space<hbm>>
      %dma_wait3A_200 = arith.constant 0 : i32
      %dma_wait3A_201 = arith.constant 0 : i32
      %dma_wait3A_202 = tpu.memref_slice %arg4[%dma_wait3A_190, %dma_wait3A_200, %dma_wait3A_201] : memref<2x16x2048xf32, #tpu.memory_space<vmem>> -> memref<1x16x2048xf32, #tpu.memory_space<vmem>>
      %dma_wait3A_203 = tpu.memref_squeeze %dma_wait3A_202 : memref<1x16x2048xf32, #tpu.memory_space<vmem>> -> memref<16x2048xf32, #tpu.memory_space<vmem>>
      %dma_wait3A_204 = arith.constant 0 : i32
      %dma_wait3A_205 = arith.constant 0 : i32
      %dma_wait3A_206 = tpu.memref_slice %dma_wait3A_203[%dma_wait3A_204, %dma_wait3A_205] : memref<16x2048xf32, #tpu.memory_space<vmem>> -> memref<16x1024xf32, #tpu.memory_space<vmem>>
      %dma_wait3A_207 = arith.constant 0 : i32
      %dma_wait3A_208 = tpu.memref_slice %arg2[%add3A_189, %dma_wait3A_207] : memref<16384x3328xf32, #tpu.memory_space<hbm>> -> memref<16x1024xf32, #tpu.memory_space<hbm>>
      tpu.wait_dma2 semaphore(%arg6 : memref<!tpu.dma_semaphore, #tpu.memory_space<semaphore_mem>>) src(%dma_wait3A_208 : memref<16x1024xf32, #tpu.memory_space<hbm>>) dst(%dma_wait3A_206 : memref<16x1024xf32, #tpu.memory_space<vmem>>)
      %dma_wait3A_209 = arith.constant 0 : i32
      %dma_wait3A_210 = arith.constant 0 : i32
      %dma_wait3A_211 = arith.constant 0 : i32
      %dma_wait3A_212 = tpu.memref_slice %arg4[%dma_wait3A_209, %dma_wait3A_210, %dma_wait3A_211] : memref<2x16x2048xf32, #tpu.memory_space<vmem>> -> memref<1x16x2048xf32, #tpu.memory_space<vmem>>
      %dma_wait3A_213 = tpu.memref_squeeze %dma_wait3A_212 : memref<1x16x2048xf32, #tpu.memory_space<vmem>> -> memref<16x2048xf32, #tpu.memory_space<vmem>>
      %dma_wait3A_214 = arith.constant 0 : i32
      %dma_wait3A_215 = arith.constant 1024 : i32
      %dma_wait3A_216 = tpu.memref_slice %dma_wait3A_213[%dma_wait3A_214, %dma_wait3A_215] : memref<16x2048xf32, #tpu.memory_space<vmem>> -> memref<16x1024xf32, #tpu.memory_space<vmem>>
      %dma_wait3A_217 = arith.constant 2304 : i32
      %dma_wait3A_218 = tpu.memref_slice %arg2[%add3A_189, %dma_wait3A_217] : memref<16384x3328xf32, #tpu.memory_space<hbm>> -> memref<16x1024xf32, #tpu.memory_space<hbm>>
      %dma_wait3A_219 = arith.constant 0 : i32
      %dma_wait3A_220 = arith.constant 0 : i32
      %dma_wait3A_221 = tpu.memref_slice %arg4[%dma_wait3A_209, %dma_wait3A_219, %dma_wait3A_220] : memref<2x16x2048xf32, #tpu.memory_space<vmem>> -> memref<1x16x2048xf32, #tpu.memory_space<vmem>>
      %dma_wait3A_222 = tpu.memref_squeeze %dma_wait3A_221 : memref<1x16x2048xf32, #tpu.memory_space<vmem>> -> memref<16x2048xf32, #tpu.memory_space<vmem>>
      %dma_wait3A_223 = arith.constant 0 : i32
      %dma_wait3A_224 = arith.constant 1024 : i32
      %dma_wait3A_225 = tpu.memref_slice %dma_wait3A_222[%dma_wait3A_223, %dma_wait3A_224] : memref<16x2048xf32, #tpu.memory_space<vmem>> -> memref<16x1024xf32, #tpu.memory_space<vmem>>
      %dma_wait3A_226 = arith.constant 2304 : i32
      %dma_wait3A_227 = tpu.memref_slice %arg2[%add3A_189, %dma_wait3A_226] : memref<16384x3328xf32, #tpu.memory_space<hbm>> -> memref<16x1024xf32, #tpu.memory_space<hbm>>
      tpu.wait_dma2 semaphore(%arg6 : memref<!tpu.dma_semaphore, #tpu.memory_space<semaphore_mem>>) src(%dma_wait3A_227 : memref<16x1024xf32, #tpu.memory_space<hbm>>) dst(%dma_wait3A_225 : memref<16x1024xf32, #tpu.memory_space<vmem>>)
      %dma_start3A_228 = arith.constant 0 : i32
      %dma_start3A_229 = arith.constant 0 : i32
      %dma_start3A_230 = arith.constant 0 : i32
      %dma_start3A_231 = tpu.memref_slice %arg4[%dma_start3A_228, %dma_start3A_229, %dma_start3A_230] : memref<2x16x2048xf32, #tpu.memory_space<vmem>> -> memref<1x16x2048xf32, #tpu.memory_space<vmem>>
      %dma_start3A_232 = tpu.memref_squeeze %dma_start3A_231 : memref<1x16x2048xf32, #tpu.memory_space<vmem>> -> memref<16x2048xf32, #tpu.memory_space<vmem>>
      %dma_start3A_233 = arith.constant 0 : i32
      %dma_start3A_234 = tpu.memref_slice %arg3[%add3A_189, %dma_start3A_233] : memref<16384x2048xf32, #tpu.memory_space<hbm>> -> memref<16x2048xf32, #tpu.memory_space<hbm>>
      %dma_start3A_235 = arith.constant 0 : i32
      %dma_start3A_236 = tpu.memref_slice %arg3[%add3A_189, %dma_start3A_235] : memref<16384x2048xf32, #tpu.memory_space<hbm>> -> memref<16x2048xf32, #tpu.memory_space<hbm>>
      %dma_start3A_237 = arith.constant 0 : i32
      %dma_start3A_238 = arith.constant 0 : i32
      %dma_start3A_239 = tpu.memref_slice %arg4[%dma_start3A_228, %dma_start3A_237, %dma_start3A_238] : memref<2x16x2048xf32, #tpu.memory_space<vmem>> -> memref<1x16x2048xf32, #tpu.memory_space<vmem>>
      %dma_start3A_240 = tpu.memref_squeeze %dma_start3A_239 : memref<1x16x2048xf32, #tpu.memory_space<vmem>> -> memref<16x2048xf32, #tpu.memory_space<vmem>>
      tpu.enqueue_dma source(%dma_start3A_240 : memref<16x2048xf32, #tpu.memory_space<vmem>>) target(%dma_start3A_236 : memref<16x2048xf32, #tpu.memory_space<hbm>>) target_semaphore(%arg8 : memref<!tpu.dma_semaphore, #tpu.memory_space<semaphore_mem>>)
      %mul3A_241 = arith.constant 2 : i32
      %mul3A_242 = arith.muli %mul3A_241, %add3A_182 : i32
      %add3A_243 = arith.constant 1 : i32
      %add3A_244 = arith.addi %mul3A_242, %add3A_243 : i32
      %mul3A_245 = arith.constant 16 : i32
      %mul3A_246 = arith.muli %add3A_244, %mul3A_245 : i32
      %add3A_247 = arith.addi %mul3A_2, %mul3A_246 : i32
      %dma_wait3A_248 = arith.constant 0 : i32
      %dma_wait3A_249 = arith.constant 0 : i32
      %dma_wait3A_250 = arith.constant 0 : i32
      %dma_wait3A_251 = tpu.memref_slice %arg5[%arg1, %dma_wait3A_248, %dma_wait3A_249, %dma_wait3A_250] : memref<16x2x16x2048xf32, #tpu.memory_space<vmem_shared>> -> memref<1x1x16x2048xf32, #tpu.memory_space<vmem_shared>>
      %dma_wait3A_252 = tpu.memref_squeeze %dma_wait3A_251 : memref<1x1x16x2048xf32, #tpu.memory_space<vmem_shared>> -> memref<16x2048xf32, #tpu.memory_space<vmem_shared>>
      %dma_wait3A_253 = arith.constant 0 : i32
      %dma_wait3A_254 = arith.constant 0 : i32
      %dma_wait3A_255 = tpu.memref_slice %dma_wait3A_252[%dma_wait3A_253, %dma_wait3A_254] : memref<16x2048xf32, #tpu.memory_space<vmem_shared>> -> memref<16x1024xf32, #tpu.memory_space<vmem_shared>>
      %dma_wait3A_256 = arith.constant 0 : i32
      %dma_wait3A_257 = tpu.memref_slice %arg2[%add3A_247, %dma_wait3A_256] : memref<16384x3328xf32, #tpu.memory_space<hbm>> -> memref<16x1024xf32, #tpu.memory_space<hbm>>
      tpu.wait_dma2 semaphore(%arg10 : memref<!tpu.dma_semaphore, #tpu.memory_space<semaphore_mem>>) src(%dma_wait3A_257 : memref<16x1024xf32, #tpu.memory_space<hbm>>) dst(%dma_wait3A_255 : memref<16x1024xf32, #tpu.memory_space<vmem_shared>>)
      %dma_wait3A_258 = arith.constant 0 : i32
      %dma_wait3A_259 = arith.constant 0 : i32
      %dma_wait3A_260 = arith.constant 0 : i32
      %dma_wait3A_261 = tpu.memref_slice %arg5[%arg1, %dma_wait3A_258, %dma_wait3A_259, %dma_wait3A_260] : memref<16x2x16x2048xf32, #tpu.memory_space<vmem_shared>> -> memref<1x1x16x2048xf32, #tpu.memory_space<vmem_shared>>
      %dma_wait3A_262 = tpu.memref_squeeze %dma_wait3A_261 : memref<1x1x16x2048xf32, #tpu.memory_space<vmem_shared>> -> memref<16x2048xf32, #tpu.memory_space<vmem_shared>>
      %dma_wait3A_263 = arith.constant 0 : i32
      %dma_wait3A_264 = arith.constant 1024 : i32
      %dma_wait3A_265 = tpu.memref_slice %dma_wait3A_262[%dma_wait3A_263, %dma_wait3A_264] : memref<16x2048xf32, #tpu.memory_space<vmem_shared>> -> memref<16x1024xf32, #tpu.memory_space<vmem_shared>>
      %dma_wait3A_266 = arith.constant 2304 : i32
      %dma_wait3A_267 = tpu.memref_slice %arg2[%add3A_247, %dma_wait3A_266] : memref<16384x3328xf32, #tpu.memory_space<hbm>> -> memref<16x1024xf32, #tpu.memory_space<hbm>>
      tpu.wait_dma2 semaphore(%arg10 : memref<!tpu.dma_semaphore, #tpu.memory_space<semaphore_mem>>) src(%dma_wait3A_267 : memref<16x1024xf32, #tpu.memory_space<hbm>>) dst(%dma_wait3A_265 : memref<16x1024xf32, #tpu.memory_space<vmem_shared>>)
      %dma_start3A_268 = arith.constant 0 : i32
      %dma_start3A_269 = arith.constant 0 : i32
      %dma_start3A_270 = tpu.memref_slice %arg3[%add3A_247, %dma_start3A_269] : memref<16384x2048xf32, #tpu.memory_space<hbm>> -> memref<16x2048xf32, #tpu.memory_space<hbm>>
      %dma_start3A_271 = arith.constant 0 : i32
      %dma_start3A_272 = arith.constant 0 : i32
      %dma_start3A_273 = tpu.memref_slice %arg5[%arg1, %dma_start3A_268, %dma_start3A_271, %dma_start3A_272] : memref<16x2x16x2048xf32, #tpu.memory_space<vmem_shared>> -> memref<1x1x16x2048xf32, #tpu.memory_space<vmem_shared>>
      %dma_start3A_274 = tpu.memref_squeeze %dma_start3A_273 : memref<1x1x16x2048xf32, #tpu.memory_space<vmem_shared>> -> memref<16x2048xf32, #tpu.memory_space<vmem_shared>>
      tpu.enqueue_dma source(%dma_start3A_274 : memref<16x2048xf32, #tpu.memory_space<vmem_shared>>) target(%dma_start3A_270 : memref<16x2048xf32, #tpu.memory_space<hbm>>) target_semaphore(%arg12 : memref<!tpu.dma_semaphore, #tpu.memory_space<semaphore_mem>>)
      %ge3A = arith.constant 1 : i32
      %ge3A_275 = arith.cmpi sge, %add3A_182, %ge3A : i32
      %sub3A = arith.constant 1 : i32
      %sub3A_276 = arith.subi %add3A_182, %sub3A : i32
      %add3A_277 = arith.constant 2 : i32
      %add3A_278 = arith.addi %sub3A_276, %add3A_277 : i32
      %lt3A = arith.constant 16 : i32
      %lt3A_279 = arith.cmpi slt, %add3A_278, %lt3A : i32
      %and3A = arith.andi %ge3A_275, %lt3A_279 : i1
      %convert_element_type3A = arith.extui %and3A : i1 to i32
      %cond3A = arith.constant 0 : i32
      %cond3A_280 = arith.cmpi ne, %convert_element_type3A, %cond3A : i32
      scf.if %cond3A_280 {
        %sub3A_389 = arith.constant 1 : i32
        %sub3A_390 = arith.subi %add3A_182, %sub3A_389 : i32
        %mul3A_391 = arith.constant 2 : i32
        %mul3A_392 = arith.muli %mul3A_391, %sub3A_390 : i32
        %add3A_393 = arith.constant 0 : i32
        %add3A_394 = arith.addi %mul3A_392, %add3A_393 : i32
        %mul3A_395 = arith.constant 16 : i32
        %mul3A_396 = arith.muli %add3A_394, %mul3A_395 : i32
        %add3A_397 = arith.addi %mul3A_2, %mul3A_396 : i32
        %dma_wait3A_398 = arith.constant 1 : i32
        %dma_wait3A_399 = arith.constant 0 : i32
        %dma_wait3A_400 = arith.constant 0 : i32
        %dma_wait3A_401 = tpu.memref_slice %arg4[%dma_wait3A_398, %dma_wait3A_399, %dma_wait3A_400] : memref<2x16x2048xf32, #tpu.memory_space<vmem>> -> memref<1x16x2048xf32, #tpu.memory_space<vmem>>
        %dma_wait3A_402 = tpu.memref_squeeze %dma_wait3A_401 : memref<1x16x2048xf32, #tpu.memory_space<vmem>> -> memref<16x2048xf32, #tpu.memory_space<vmem>>
        %dma_wait3A_403 = arith.constant 0 : i32
        %dma_wait3A_404 = tpu.memref_slice %arg3[%add3A_397, %dma_wait3A_403] : memref<16384x2048xf32, #tpu.memory_space<hbm>> -> memref<16x2048xf32, #tpu.memory_space<hbm>>
        %dma_wait3A_405 = arith.constant 0 : i32
        %dma_wait3A_406 = tpu.memref_slice %arg3[%add3A_397, %dma_wait3A_405] : memref<16384x2048xf32, #tpu.memory_space<hbm>> -> memref<16x2048xf32, #tpu.memory_space<hbm>>
        %dma_wait3A_407 = arith.constant 0 : i32
        %dma_wait3A_408 = arith.constant 0 : i32
        %dma_wait3A_409 = tpu.memref_slice %arg4[%dma_wait3A_398, %dma_wait3A_407, %dma_wait3A_408] : memref<2x16x2048xf32, #tpu.memory_space<vmem>> -> memref<1x16x2048xf32, #tpu.memory_space<vmem>>
        %dma_wait3A_410 = tpu.memref_squeeze %dma_wait3A_409 : memref<1x16x2048xf32, #tpu.memory_space<vmem>> -> memref<16x2048xf32, #tpu.memory_space<vmem>>
        tpu.wait_dma2 semaphore(%arg9 : memref<!tpu.dma_semaphore, #tpu.memory_space<semaphore_mem>>) src(%dma_wait3A_410 : memref<16x2048xf32, #tpu.memory_space<vmem>>) dst(%dma_wait3A_406 : memref<16x2048xf32, #tpu.memory_space<hbm>>)
        %sub3A_411 = arith.constant 1 : i32
        %sub3A_412 = arith.subi %add3A_182, %sub3A_411 : i32
        %add3A_413 = arith.constant 2 : i32
        %add3A_414 = arith.addi %sub3A_412, %add3A_413 : i32
        %mul3A_415 = arith.constant 2 : i32
        %mul3A_416 = arith.muli %mul3A_415, %add3A_414 : i32
        %add3A_417 = arith.constant 0 : i32
        %add3A_418 = arith.addi %mul3A_416, %add3A_417 : i32
        %mul3A_419 = arith.constant 16 : i32
        %mul3A_420 = arith.muli %add3A_418, %mul3A_419 : i32
        %add3A_421 = arith.addi %mul3A_2, %mul3A_420 : i32
        %dma_start3A_422 = arith.constant 1 : i32
        %dma_start3A_423 = arith.constant 0 : i32
        %dma_start3A_424 = arith.constant 0 : i32
        %dma_start3A_425 = tpu.memref_slice %arg4[%dma_start3A_422, %dma_start3A_423, %dma_start3A_424] : memref<2x16x2048xf32, #tpu.memory_space<vmem>> -> memref<1x16x2048xf32, #tpu.memory_space<vmem>>
        %dma_start3A_426 = tpu.memref_squeeze %dma_start3A_425 : memref<1x16x2048xf32, #tpu.memory_space<vmem>> -> memref<16x2048xf32, #tpu.memory_space<vmem>>
        %dma_start3A_427 = arith.constant 0 : i32
        %dma_start3A_428 = arith.constant 0 : i32
        %dma_start3A_429 = tpu.memref_slice %dma_start3A_426[%dma_start3A_427, %dma_start3A_428] : memref<16x2048xf32, #tpu.memory_space<vmem>> -> memref<16x1024xf32, #tpu.memory_space<vmem>>
        %dma_start3A_430 = arith.constant 0 : i32
        %dma_start3A_431 = tpu.memref_slice %arg2[%add3A_421, %dma_start3A_430] : memref<16384x3328xf32, #tpu.memory_space<hbm>> -> memref<16x1024xf32, #tpu.memory_space<hbm>>
        %dma_start3A_432 = arith.constant 0 : i32
        %dma_start3A_433 = arith.constant 0 : i32
        %dma_start3A_434 = tpu.memref_slice %arg4[%dma_start3A_422, %dma_start3A_432, %dma_start3A_433] : memref<2x16x2048xf32, #tpu.memory_space<vmem>> -> memref<1x16x2048xf32, #tpu.memory_space<vmem>>
        %dma_start3A_435 = tpu.memref_squeeze %dma_start3A_434 : memref<1x16x2048xf32, #tpu.memory_space<vmem>> -> memref<16x2048xf32, #tpu.memory_space<vmem>>
        %dma_start3A_436 = arith.constant 0 : i32
        %dma_start3A_437 = arith.constant 0 : i32
        %dma_start3A_438 = tpu.memref_slice %dma_start3A_435[%dma_start3A_436, %dma_start3A_437] : memref<16x2048xf32, #tpu.memory_space<vmem>> -> memref<16x1024xf32, #tpu.memory_space<vmem>>
        %dma_start3A_439 = arith.constant 0 : i32
        %dma_start3A_440 = tpu.memref_slice %arg2[%add3A_421, %dma_start3A_439] : memref<16384x3328xf32, #tpu.memory_space<hbm>> -> memref<16x1024xf32, #tpu.memory_space<hbm>>
        tpu.enqueue_dma source(%dma_start3A_440 : memref<16x1024xf32, #tpu.memory_space<hbm>>) target(%dma_start3A_438 : memref<16x1024xf32, #tpu.memory_space<vmem>>) target_semaphore(%arg7 : memref<!tpu.dma_semaphore, #tpu.memory_space<semaphore_mem>>)
        %dma_start3A_441 = arith.constant 1 : i32
        %dma_start3A_442 = arith.constant 0 : i32
        %dma_start3A_443 = arith.constant 0 : i32
        %dma_start3A_444 = tpu.memref_slice %arg4[%dma_start3A_441, %dma_start3A_442, %dma_start3A_443] : memref<2x16x2048xf32, #tpu.memory_space<vmem>> -> memref<1x16x2048xf32, #tpu.memory_space<vmem>>
        %dma_start3A_445 = tpu.memref_squeeze %dma_start3A_444 : memref<1x16x2048xf32, #tpu.memory_space<vmem>> -> memref<16x2048xf32, #tpu.memory_space<vmem>>
        %dma_start3A_446 = arith.constant 0 : i32
        %dma_start3A_447 = arith.constant 1024 : i32
        %dma_start3A_448 = tpu.memref_slice %dma_start3A_445[%dma_start3A_446, %dma_start3A_447] : memref<16x2048xf32, #tpu.memory_space<vmem>> -> memref<16x1024xf32, #tpu.memory_space<vmem>>
        %dma_start3A_449 = arith.constant 2304 : i32
        %dma_start3A_450 = tpu.memref_slice %arg2[%add3A_421, %dma_start3A_449] : memref<16384x3328xf32, #tpu.memory_space<hbm>> -> memref<16x1024xf32, #tpu.memory_space<hbm>>
        %dma_start3A_451 = arith.constant 0 : i32
        %dma_start3A_452 = arith.constant 0 : i32
        %dma_start3A_453 = tpu.memref_slice %arg4[%dma_start3A_441, %dma_start3A_451, %dma_start3A_452] : memref<2x16x2048xf32, #tpu.memory_space<vmem>> -> memref<1x16x2048xf32, #tpu.memory_space<vmem>>
        %dma_start3A_454 = tpu.memref_squeeze %dma_start3A_453 : memref<1x16x2048xf32, #tpu.memory_space<vmem>> -> memref<16x2048xf32, #tpu.memory_space<vmem>>
        %dma_start3A_455 = arith.constant 0 : i32
        %dma_start3A_456 = arith.constant 1024 : i32
        %dma_start3A_457 = tpu.memref_slice %dma_start3A_454[%dma_start3A_455, %dma_start3A_456] : memref<16x2048xf32, #tpu.memory_space<vmem>> -> memref<16x1024xf32, #tpu.memory_space<vmem>>
        %dma_start3A_458 = arith.constant 2304 : i32
        %dma_start3A_459 = tpu.memref_slice %arg2[%add3A_421, %dma_start3A_458] : memref<16384x3328xf32, #tpu.memory_space<hbm>> -> memref<16x1024xf32, #tpu.memory_space<hbm>>
        tpu.enqueue_dma source(%dma_start3A_459 : memref<16x1024xf32, #tpu.memory_space<hbm>>) target(%dma_start3A_457 : memref<16x1024xf32, #tpu.memory_space<vmem>>) target_semaphore(%arg7 : memref<!tpu.dma_semaphore, #tpu.memory_space<semaphore_mem>>)
        %sub3A_460 = arith.constant 1 : i32
        %sub3A_461 = arith.subi %add3A_182, %sub3A_460 : i32
        %mul3A_462 = arith.constant 2 : i32
        %mul3A_463 = arith.muli %mul3A_462, %sub3A_461 : i32
        %add3A_464 = arith.constant 1 : i32
        %add3A_465 = arith.addi %mul3A_463, %add3A_464 : i32
        %mul3A_466 = arith.constant 16 : i32
        %mul3A_467 = arith.muli %add3A_465, %mul3A_466 : i32
        %add3A_468 = arith.addi %mul3A_2, %mul3A_467 : i32
        %dma_wait3A_469 = arith.constant 1 : i32
        %dma_wait3A_470 = arith.constant 0 : i32
        %dma_wait3A_471 = tpu.memref_slice %arg3[%add3A_468, %dma_wait3A_470] : memref<16384x2048xf32, #tpu.memory_space<hbm>> -> memref<16x2048xf32, #tpu.memory_space<hbm>>
        %dma_wait3A_472 = arith.constant 0 : i32
        %dma_wait3A_473 = arith.constant 0 : i32
        %dma_wait3A_474 = tpu.memref_slice %arg5[%arg1, %dma_wait3A_469, %dma_wait3A_472, %dma_wait3A_473] : memref<16x2x16x2048xf32, #tpu.memory_space<vmem_shared>> -> memref<1x1x16x2048xf32, #tpu.memory_space<vmem_shared>>
        %dma_wait3A_475 = tpu.memref_squeeze %dma_wait3A_474 : memref<1x1x16x2048xf32, #tpu.memory_space<vmem_shared>> -> memref<16x2048xf32, #tpu.memory_space<vmem_shared>>
        tpu.wait_dma2 semaphore(%arg13 : memref<!tpu.dma_semaphore, #tpu.memory_space<semaphore_mem>>) src(%dma_wait3A_475 : memref<16x2048xf32, #tpu.memory_space<vmem_shared>>) dst(%dma_wait3A_471 : memref<16x2048xf32, #tpu.memory_space<hbm>>)
        %sub3A_476 = arith.constant 1 : i32
        %sub3A_477 = arith.subi %add3A_182, %sub3A_476 : i32
        %add3A_478 = arith.constant 2 : i32
        %add3A_479 = arith.addi %sub3A_477, %add3A_478 : i32
        %mul3A_480 = arith.constant 2 : i32
        %mul3A_481 = arith.muli %mul3A_480, %add3A_479 : i32
        %add3A_482 = arith.constant 1 : i32
        %add3A_483 = arith.addi %mul3A_481, %add3A_482 : i32
        %mul3A_484 = arith.constant 16 : i32
        %mul3A_485 = arith.muli %add3A_483, %mul3A_484 : i32
        %add3A_486 = arith.addi %mul3A_2, %mul3A_485 : i32
        %dma_start3A_487 = arith.constant 1 : i32
        %dma_start3A_488 = arith.constant 0 : i32
        %dma_start3A_489 = arith.constant 0 : i32
        %dma_start3A_490 = tpu.memref_slice %arg5[%arg1, %dma_start3A_487, %dma_start3A_488, %dma_start3A_489] : memref<16x2x16x2048xf32, #tpu.memory_space<vmem_shared>> -> memref<1x1x16x2048xf32, #tpu.memory_space<vmem_shared>>
        %dma_start3A_491 = tpu.memref_squeeze %dma_start3A_490 : memref<1x1x16x2048xf32, #tpu.memory_space<vmem_shared>> -> memref<16x2048xf32, #tpu.memory_space<vmem_shared>>
        %dma_start3A_492 = arith.constant 0 : i32
        %dma_start3A_493 = arith.constant 0 : i32
        %dma_start3A_494 = tpu.memref_slice %dma_start3A_491[%dma_start3A_492, %dma_start3A_493] : memref<16x2048xf32, #tpu.memory_space<vmem_shared>> -> memref<16x1024xf32, #tpu.memory_space<vmem_shared>>
        %dma_start3A_495 = arith.constant 0 : i32
        %dma_start3A_496 = tpu.memref_slice %arg2[%add3A_486, %dma_start3A_495] : memref<16384x3328xf32, #tpu.memory_space<hbm>> -> memref<16x1024xf32, #tpu.memory_space<hbm>>
        tpu.enqueue_dma source(%dma_start3A_496 : memref<16x1024xf32, #tpu.memory_space<hbm>>) target(%dma_start3A_494 : memref<16x1024xf32, #tpu.memory_space<vmem_shared>>) target_semaphore(%arg11 : memref<!tpu.dma_semaphore, #tpu.memory_space<semaphore_mem>>)
        %dma_start3A_497 = arith.constant 1 : i32
        %dma_start3A_498 = arith.constant 0 : i32
        %dma_start3A_499 = arith.constant 0 : i32
        %dma_start3A_500 = tpu.memref_slice %arg5[%arg1, %dma_start3A_497, %dma_start3A_498, %dma_start3A_499] : memref<16x2x16x2048xf32, #tpu.memory_space<vmem_shared>> -> memref<1x1x16x2048xf32, #tpu.memory_space<vmem_shared>>
        %dma_start3A_501 = tpu.memref_squeeze %dma_start3A_500 : memref<1x1x16x2048xf32, #tpu.memory_space<vmem_shared>> -> memref<16x2048xf32, #tpu.memory_space<vmem_shared>>
        %dma_start3A_502 = arith.constant 0 : i32
        %dma_start3A_503 = arith.constant 1024 : i32
        %dma_start3A_504 = tpu.memref_slice %dma_start3A_501[%dma_start3A_502, %dma_start3A_503] : memref<16x2048xf32, #tpu.memory_space<vmem_shared>> -> memref<16x1024xf32, #tpu.memory_space<vmem_shared>>
        %dma_start3A_505 = arith.constant 2304 : i32
        %dma_start3A_506 = tpu.memref_slice %arg2[%add3A_486, %dma_start3A_505] : memref<16384x3328xf32, #tpu.memory_space<hbm>> -> memref<16x1024xf32, #tpu.memory_space<hbm>>
        tpu.enqueue_dma source(%dma_start3A_506 : memref<16x1024xf32, #tpu.memory_space<hbm>>) target(%dma_start3A_504 : memref<16x1024xf32, #tpu.memory_space<vmem_shared>>) target_semaphore(%arg11 : memref<!tpu.dma_semaphore, #tpu.memory_space<semaphore_mem>>)
      } else {
      }
      %mul3A_281 = arith.constant 2 : i32
      %mul3A_282 = arith.muli %scan3A_178, %mul3A_281 : i32
      %add3A_283 = arith.constant 1 : i32
      %add3A_284 = arith.addi %mul3A_282, %add3A_283 : i32
      %mul3A_285 = arith.constant 2 : i32
      %mul3A_286 = arith.muli %mul3A_285, %add3A_284 : i32
      %add3A_287 = arith.constant 0 : i32
      %add3A_288 = arith.addi %mul3A_286, %add3A_287 : i32
      %mul3A_289 = arith.constant 16 : i32
      %mul3A_290 = arith.muli %add3A_288, %mul3A_289 : i32
      %add3A_291 = arith.addi %mul3A_2, %mul3A_290 : i32
      %dma_wait3A_292 = arith.constant 1 : i32
      %dma_wait3A_293 = arith.constant 0 : i32
      %dma_wait3A_294 = arith.constant 0 : i32
      %dma_wait3A_295 = tpu.memref_slice %arg4[%dma_wait3A_292, %dma_wait3A_293, %dma_wait3A_294] : memref<2x16x2048xf32, #tpu.memory_space<vmem>> -> memref<1x16x2048xf32, #tpu.memory_space<vmem>>
      %dma_wait3A_296 = tpu.memref_squeeze %dma_wait3A_295 : memref<1x16x2048xf32, #tpu.memory_space<vmem>> -> memref<16x2048xf32, #tpu.memory_space<vmem>>
      %dma_wait3A_297 = arith.constant 0 : i32
      %dma_wait3A_298 = arith.constant 0 : i32
      %dma_wait3A_299 = tpu.memref_slice %dma_wait3A_296[%dma_wait3A_297, %dma_wait3A_298] : memref<16x2048xf32, #tpu.memory_space<vmem>> -> memref<16x1024xf32, #tpu.memory_space<vmem>>
      %dma_wait3A_300 = arith.constant 0 : i32
      %dma_wait3A_301 = tpu.memref_slice %arg2[%add3A_291, %dma_wait3A_300] : memref<16384x3328xf32, #tpu.memory_space<hbm>> -> memref<16x1024xf32, #tpu.memory_space<hbm>>
      %dma_wait3A_302 = arith.constant 0 : i32
      %dma_wait3A_303 = arith.constant 0 : i32
      %dma_wait3A_304 = tpu.memref_slice %arg4[%dma_wait3A_292, %dma_wait3A_302, %dma_wait3A_303] : memref<2x16x2048xf32, #tpu.memory_space<vmem>> -> memref<1x16x2048xf32, #tpu.memory_space<vmem>>
      %dma_wait3A_305 = tpu.memref_squeeze %dma_wait3A_304 : memref<1x16x2048xf32, #tpu.memory_space<vmem>> -> memref<16x2048xf32, #tpu.memory_space<vmem>>
      %dma_wait3A_306 = arith.constant 0 : i32
      %dma_wait3A_307 = arith.constant 0 : i32
      %dma_wait3A_308 = tpu.memref_slice %dma_wait3A_305[%dma_wait3A_306, %dma_wait3A_307] : memref<16x2048xf32, #tpu.memory_space<vmem>> -> memref<16x1024xf32, #tpu.memory_space<vmem>>
      %dma_wait3A_309 = arith.constant 0 : i32
      %dma_wait3A_310 = tpu.memref_slice %arg2[%add3A_291, %dma_wait3A_309] : memref<16384x3328xf32, #tpu.memory_space<hbm>> -> memref<16x1024xf32, #tpu.memory_space<hbm>>
      tpu.wait_dma2 semaphore(%arg7 : memref<!tpu.dma_semaphore, #tpu.memory_space<semaphore_mem>>) src(%dma_wait3A_310 : memref<16x1024xf32, #tpu.memory_space<hbm>>) dst(%dma_wait3A_308 : memref<16x1024xf32, #tpu.memory_space<vmem>>)
      %dma_wait3A_311 = arith.constant 1 : i32
      %dma_wait3A_312 = arith.constant 0 : i32
      %dma_wait3A_313 = arith.constant 0 : i32
      %dma_wait3A_314 = tpu.memref_slice %arg4[%dma_wait3A_311, %dma_wait3A_312, %dma_wait3A_313] : memref<2x16x2048xf32, #tpu.memory_space<vmem>> -> memref<1x16x2048xf32, #tpu.memory_space<vmem>>
      %dma_wait3A_315 = tpu.memref_squeeze %dma_wait3A_314 : memref<1x16x2048xf32, #tpu.memory_space<vmem>> -> memref<16x2048xf32, #tpu.memory_space<vmem>>
      %dma_wait3A_316 = arith.constant 0 : i32
      %dma_wait3A_317 = arith.constant 1024 : i32
      %dma_wait3A_318 = tpu.memref_slice %dma_wait3A_315[%dma_wait3A_316, %dma_wait3A_317] : memref<16x2048xf32, #tpu.memory_space<vmem>> -> memref<16x1024xf32, #tpu.memory_space<vmem>>
      %dma_wait3A_319 = arith.constant 2304 : i32
      %dma_wait3A_320 = tpu.memref_slice %arg2[%add3A_291, %dma_wait3A_319] : memref<16384x3328xf32, #tpu.memory_space<hbm>> -> memref<16x1024xf32, #tpu.memory_space<hbm>>
      %dma_wait3A_321 = arith.constant 0 : i32
      %dma_wait3A_322 = arith.constant 0 : i32
      %dma_wait3A_323 = tpu.memref_slice %arg4[%dma_wait3A_311, %dma_wait3A_321, %dma_wait3A_322] : memref<2x16x2048xf32, #tpu.memory_space<vmem>> -> memref<1x16x2048xf32, #tpu.memory_space<vmem>>
      %dma_wait3A_324 = tpu.memref_squeeze %dma_wait3A_323 : memref<1x16x2048xf32, #tpu.memory_space<vmem>> -> memref<16x2048xf32, #tpu.memory_space<vmem>>
      %dma_wait3A_325 = arith.constant 0 : i32
      %dma_wait3A_326 = arith.constant 1024 : i32
      %dma_wait3A_327 = tpu.memref_slice %dma_wait3A_324[%dma_wait3A_325, %dma_wait3A_326] : memref<16x2048xf32, #tpu.memory_space<vmem>> -> memref<16x1024xf32, #tpu.memory_space<vmem>>
      %dma_wait3A_328 = arith.constant 2304 : i32
      %dma_wait3A_329 = tpu.memref_slice %arg2[%add3A_291, %dma_wait3A_328] : memref<16384x3328xf32, #tpu.memory_space<hbm>> -> memref<16x1024xf32, #tpu.memory_space<hbm>>
      tpu.wait_dma2 semaphore(%arg7 : memref<!tpu.dma_semaphore, #tpu.memory_space<semaphore_mem>>) src(%dma_wait3A_329 : memref<16x1024xf32, #tpu.memory_space<hbm>>) dst(%dma_wait3A_327 : memref<16x1024xf32, #tpu.memory_space<vmem>>)
      %dma_start3A_330 = arith.constant 1 : i32
      %dma_start3A_331 = arith.constant 0 : i32
      %dma_start3A_332 = arith.constant 0 : i32
      %dma_start3A_333 = tpu.memref_slice %arg4[%dma_start3A_330, %dma_start3A_331, %dma_start3A_332] : memref<2x16x2048xf32, #tpu.memory_space<vmem>> -> memref<1x16x2048xf32, #tpu.memory_space<vmem>>
      %dma_start3A_334 = tpu.memref_squeeze %dma_start3A_333 : memref<1x16x2048xf32, #tpu.memory_space<vmem>> -> memref<16x2048xf32, #tpu.memory_space<vmem>>
      %dma_start3A_335 = arith.constant 0 : i32
      %dma_start3A_336 = tpu.memref_slice %arg3[%add3A_291, %dma_start3A_335] : memref<16384x2048xf32, #tpu.memory_space<hbm>> -> memref<16x2048xf32, #tpu.memory_space<hbm>>
      %dma_start3A_337 = arith.constant 0 : i32
      %dma_start3A_338 = tpu.memref_slice %arg3[%add3A_291, %dma_start3A_337] : memref<16384x2048xf32, #tpu.memory_space<hbm>> -> memref<16x2048xf32, #tpu.memory_space<hbm>>
      %dma_start3A_339 = arith.constant 0 : i32
      %dma_start3A_340 = arith.constant 0 : i32
      %dma_start3A_341 = tpu.memref_slice %arg4[%dma_start3A_330, %dma_start3A_339, %dma_start3A_340] : memref<2x16x2048xf32, #tpu.memory_space<vmem>> -> memref<1x16x2048xf32, #tpu.memory_space<vmem>>
      %dma_start3A_342 = tpu.memref_squeeze %dma_start3A_341 : memref<1x16x2048xf32, #tpu.memory_space<vmem>> -> memref<16x2048xf32, #tpu.memory_space<vmem>>
      tpu.enqueue_dma source(%dma_start3A_342 : memref<16x2048xf32, #tpu.memory_space<vmem>>) target(%dma_start3A_338 : memref<16x2048xf32, #tpu.memory_space<hbm>>) target_semaphore(%arg9 : memref<!tpu.dma_semaphore, #tpu.memory_space<semaphore_mem>>)
      %mul3A_343 = arith.constant 2 : i32
      %mul3A_344 = arith.muli %mul3A_343, %add3A_284 : i32
      %add3A_345 = arith.constant 1 : i32
      %add3A_346 = arith.addi %mul3A_344, %add3A_345 : i32
      %mul3A_347 = arith.constant 16 : i32
      %mul3A_348 = arith.muli %add3A_346, %mul3A_347 : i32
      %add3A_349 = arith.addi %mul3A_2, %mul3A_348 : i32
      %dma_wait3A_350 = arith.constant 1 : i32
      %dma_wait3A_351 = arith.constant 0 : i32
      %dma_wait3A_352 = arith.constant 0 : i32
      %dma_wait3A_353 = tpu.memref_slice %arg5[%arg1, %dma_wait3A_350, %dma_wait3A_351, %dma_wait3A_352] : memref<16x2x16x2048xf32, #tpu.memory_space<vmem_shared>> -> memref<1x1x16x2048xf32, #tpu.memory_space<vmem_shared>>
      %dma_wait3A_354 = tpu.memref_squeeze %dma_wait3A_353 : memref<1x1x16x2048xf32, #tpu.memory_space<vmem_shared>> -> memref<16x2048xf32, #tpu.memory_space<vmem_shared>>
      %dma_wait3A_355 = arith.constant 0 : i32
      %dma_wait3A_356 = arith.constant 0 : i32
      %dma_wait3A_357 = tpu.memref_slice %dma_wait3A_354[%dma_wait3A_355, %dma_wait3A_356] : memref<16x2048xf32, #tpu.memory_space<vmem_shared>> -> memref<16x1024xf32, #tpu.memory_space<vmem_shared>>
      %dma_wait3A_358 = arith.constant 0 : i32
      %dma_wait3A_359 = tpu.memref_slice %arg2[%add3A_349, %dma_wait3A_358] : memref<16384x3328xf32, #tpu.memory_space<hbm>> -> memref<16x1024xf32, #tpu.memory_space<hbm>>
      tpu.wait_dma2 semaphore(%arg11 : memref<!tpu.dma_semaphore, #tpu.memory_space<semaphore_mem>>) src(%dma_wait3A_359 : memref<16x1024xf32, #tpu.memory_space<hbm>>) dst(%dma_wait3A_357 : memref<16x1024xf32, #tpu.memory_space<vmem_shared>>)
      %dma_wait3A_360 = arith.constant 1 : i32
      %dma_wait3A_361 = arith.constant 0 : i32
      %dma_wait3A_362 = arith.constant 0 : i32
      %dma_wait3A_363 = tpu.memref_slice %arg5[%arg1, %dma_wait3A_360, %dma_wait3A_361, %dma_wait3A_362] : memref<16x2x16x2048xf32, #tpu.memory_space<vmem_shared>> -> memref<1x1x16x2048xf32, #tpu.memory_space<vmem_shared>>
      %dma_wait3A_364 = tpu.memref_squeeze %dma_wait3A_363 : memref<1x1x16x2048xf32, #tpu.memory_space<vmem_shared>> -> memref<16x2048xf32, #tpu.memory_space<vmem_shared>>
      %dma_wait3A_365 = arith.constant 0 : i32
      %dma_wait3A_366 = arith.constant 1024 : i32
      %dma_wait3A_367 = tpu.memref_slice %dma_wait3A_364[%dma_wait3A_365, %dma_wait3A_366] : memref<16x2048xf32, #tpu.memory_space<vmem_shared>> -> memref<16x1024xf32, #tpu.memory_space<vmem_shared>>
      %dma_wait3A_368 = arith.constant 2304 : i32
      %dma_wait3A_369 = tpu.memref_slice %arg2[%add3A_349, %dma_wait3A_368] : memref<16384x3328xf32, #tpu.memory_space<hbm>> -> memref<16x1024xf32, #tpu.memory_space<hbm>>
      tpu.wait_dma2 semaphore(%arg11 : memref<!tpu.dma_semaphore, #tpu.memory_space<semaphore_mem>>) src(%dma_wait3A_369 : memref<16x1024xf32, #tpu.memory_space<hbm>>) dst(%dma_wait3A_367 : memref<16x1024xf32, #tpu.memory_space<vmem_shared>>)
      %dma_start3A_370 = arith.constant 1 : i32
      %dma_start3A_371 = arith.constant 0 : i32
      %dma_start3A_372 = tpu.memref_slice %arg3[%add3A_349, %dma_start3A_371] : memref<16384x2048xf32, #tpu.memory_space<hbm>> -> memref<16x2048xf32, #tpu.memory_space<hbm>>
      %dma_start3A_373 = arith.constant 0 : i32
      %dma_start3A_374 = arith.constant 0 : i32
      %dma_start3A_375 = tpu.memref_slice %arg5[%arg1, %dma_start3A_370, %dma_start3A_373, %dma_start3A_374] : memref<16x2x16x2048xf32, #tpu.memory_space<vmem_shared>> -> memref<1x1x16x2048xf32, #tpu.memory_space<vmem_shared>>
      %dma_start3A_376 = tpu.memref_squeeze %dma_start3A_375 : memref<1x1x16x2048xf32, #tpu.memory_space<vmem_shared>> -> memref<16x2048xf32, #tpu.memory_space<vmem_shared>>
      tpu.enqueue_dma source(%dma_start3A_376 : memref<16x2048xf32, #tpu.memory_space<vmem_shared>>) target(%dma_start3A_372 : memref<16x2048xf32, #tpu.memory_space<hbm>>) target_semaphore(%arg13 : memref<!tpu.dma_semaphore, #tpu.memory_space<semaphore_mem>>)
      %ge3A_377 = arith.constant 1 : i32
      %ge3A_378 = arith.cmpi sge, %add3A_284, %ge3A_377 : i32
      %sub3A_379 = arith.constant 1 : i32
      %sub3A_380 = arith.subi %add3A_284, %sub3A_379 : i32
      %add3A_381 = arith.constant 2 : i32
      %add3A_382 = arith.addi %sub3A_380, %add3A_381 : i32
      %lt3A_383 = arith.constant 16 : i32
      %lt3A_384 = arith.cmpi slt, %add3A_382, %lt3A_383 : i32
      %and3A_385 = arith.andi %ge3A_378, %lt3A_384 : i1
      %convert_element_type3A_386 = arith.extui %and3A_385 : i1 to i32
      %cond3A_387 = arith.constant 0 : i32
      %cond3A_388 = arith.cmpi ne, %convert_element_type3A_386, %cond3A_387 : i32
      scf.if %cond3A_388 {
        %sub3A_389 = arith.constant 1 : i32
        %sub3A_390 = arith.subi %add3A_284, %sub3A_389 : i32
        %mul3A_391 = arith.constant 2 : i32
        %mul3A_392 = arith.muli %mul3A_391, %sub3A_390 : i32
        %add3A_393 = arith.constant 0 : i32
        %add3A_394 = arith.addi %mul3A_392, %add3A_393 : i32
        %mul3A_395 = arith.constant 16 : i32
        %mul3A_396 = arith.muli %add3A_394, %mul3A_395 : i32
        %add3A_397 = arith.addi %mul3A_2, %mul3A_396 : i32
        %dma_wait3A_398 = arith.constant 0 : i32
        %dma_wait3A_399 = arith.constant 0 : i32
        %dma_wait3A_400 = arith.constant 0 : i32
        %dma_wait3A_401 = tpu.memref_slice %arg4[%dma_wait3A_398, %dma_wait3A_399, %dma_wait3A_400] : memref<2x16x2048xf32, #tpu.memory_space<vmem>> -> memref<1x16x2048xf32, #tpu.memory_space<vmem>>
        %dma_wait3A_402 = tpu.memref_squeeze %dma_wait3A_401 : memref<1x16x2048xf32, #tpu.memory_space<vmem>> -> memref<16x2048xf32, #tpu.memory_space<vmem>>
        %dma_wait3A_403 = arith.constant 0 : i32
        %dma_wait3A_404 = tpu.memref_slice %arg3[%add3A_397, %dma_wait3A_403] : memref<16384x2048xf32, #tpu.memory_space<hbm>> -> memref<16x2048xf32, #tpu.memory_space<hbm>>
        %dma_wait3A_405 = arith.constant 0 : i32
        %dma_wait3A_406 = tpu.memref_slice %arg3[%add3A_397, %dma_wait3A_405] : memref<16384x2048xf32, #tpu.memory_space<hbm>> -> memref<16x2048xf32, #tpu.memory_space<hbm>>
        %dma_wait3A_407 = arith.constant 0 : i32
        %dma_wait3A_408 = arith.constant 0 : i32
        %dma_wait3A_409 = tpu.memref_slice %arg4[%dma_wait3A_398, %dma_wait3A_407, %dma_wait3A_408] : memref<2x16x2048xf32, #tpu.memory_space<vmem>> -> memref<1x16x2048xf32, #tpu.memory_space<vmem>>
        %dma_wait3A_410 = tpu.memref_squeeze %dma_wait3A_409 : memref<1x16x2048xf32, #tpu.memory_space<vmem>> -> memref<16x2048xf32, #tpu.memory_space<vmem>>
        tpu.wait_dma2 semaphore(%arg8 : memref<!tpu.dma_semaphore, #tpu.memory_space<semaphore_mem>>) src(%dma_wait3A_410 : memref<16x2048xf32, #tpu.memory_space<vmem>>) dst(%dma_wait3A_406 : memref<16x2048xf32, #tpu.memory_space<hbm>>)
        %sub3A_411 = arith.constant 1 : i32
        %sub3A_412 = arith.subi %add3A_284, %sub3A_411 : i32
        %add3A_413 = arith.constant 2 : i32
        %add3A_414 = arith.addi %sub3A_412, %add3A_413 : i32
        %mul3A_415 = arith.constant 2 : i32
        %mul3A_416 = arith.muli %mul3A_415, %add3A_414 : i32
        %add3A_417 = arith.constant 0 : i32
        %add3A_418 = arith.addi %mul3A_416, %add3A_417 : i32
        %mul3A_419 = arith.constant 16 : i32
        %mul3A_420 = arith.muli %add3A_418, %mul3A_419 : i32
        %add3A_421 = arith.addi %mul3A_2, %mul3A_420 : i32
        %dma_start3A_422 = arith.constant 0 : i32
        %dma_start3A_423 = arith.constant 0 : i32
        %dma_start3A_424 = arith.constant 0 : i32
        %dma_start3A_425 = tpu.memref_slice %arg4[%dma_start3A_422, %dma_start3A_423, %dma_start3A_424] : memref<2x16x2048xf32, #tpu.memory_space<vmem>> -> memref<1x16x2048xf32, #tpu.memory_space<vmem>>
        %dma_start3A_426 = tpu.memref_squeeze %dma_start3A_425 : memref<1x16x2048xf32, #tpu.memory_space<vmem>> -> memref<16x2048xf32, #tpu.memory_space<vmem>>
        %dma_start3A_427 = arith.constant 0 : i32
        %dma_start3A_428 = arith.constant 0 : i32
        %dma_start3A_429 = tpu.memref_slice %dma_start3A_426[%dma_start3A_427, %dma_start3A_428] : memref<16x2048xf32, #tpu.memory_space<vmem>> -> memref<16x1024xf32, #tpu.memory_space<vmem>>
        %dma_start3A_430 = arith.constant 0 : i32
        %dma_start3A_431 = tpu.memref_slice %arg2[%add3A_421, %dma_start3A_430] : memref<16384x3328xf32, #tpu.memory_space<hbm>> -> memref<16x1024xf32, #tpu.memory_space<hbm>>
        %dma_start3A_432 = arith.constant 0 : i32
        %dma_start3A_433 = arith.constant 0 : i32
        %dma_start3A_434 = tpu.memref_slice %arg4[%dma_start3A_422, %dma_start3A_432, %dma_start3A_433] : memref<2x16x2048xf32, #tpu.memory_space<vmem>> -> memref<1x16x2048xf32, #tpu.memory_space<vmem>>
        %dma_start3A_435 = tpu.memref_squeeze %dma_start3A_434 : memref<1x16x2048xf32, #tpu.memory_space<vmem>> -> memref<16x2048xf32, #tpu.memory_space<vmem>>
        %dma_start3A_436 = arith.constant 0 : i32
        %dma_start3A_437 = arith.constant 0 : i32
        %dma_start3A_438 = tpu.memref_slice %dma_start3A_435[%dma_start3A_436, %dma_start3A_437] : memref<16x2048xf32, #tpu.memory_space<vmem>> -> memref<16x1024xf32, #tpu.memory_space<vmem>>
        %dma_start3A_439 = arith.constant 0 : i32
        %dma_start3A_440 = tpu.memref_slice %arg2[%add3A_421, %dma_start3A_439] : memref<16384x3328xf32, #tpu.memory_space<hbm>> -> memref<16x1024xf32, #tpu.memory_space<hbm>>
        tpu.enqueue_dma source(%dma_start3A_440 : memref<16x1024xf32, #tpu.memory_space<hbm>>) target(%dma_start3A_438 : memref<16x1024xf32, #tpu.memory_space<vmem>>) target_semaphore(%arg6 : memref<!tpu.dma_semaphore, #tpu.memory_space<semaphore_mem>>)
        %dma_start3A_441 = arith.constant 0 : i32
        %dma_start3A_442 = arith.constant 0 : i32
        %dma_start3A_443 = arith.constant 0 : i32
        %dma_start3A_444 = tpu.memref_slice %arg4[%dma_start3A_441, %dma_start3A_442, %dma_start3A_443] : memref<2x16x2048xf32, #tpu.memory_space<vmem>> -> memref<1x16x2048xf32, #tpu.memory_space<vmem>>
        %dma_start3A_445 = tpu.memref_squeeze %dma_start3A_444 : memref<1x16x2048xf32, #tpu.memory_space<vmem>> -> memref<16x2048xf32, #tpu.memory_space<vmem>>
        %dma_start3A_446 = arith.constant 0 : i32
        %dma_start3A_447 = arith.constant 1024 : i32
        %dma_start3A_448 = tpu.memref_slice %dma_start3A_445[%dma_start3A_446, %dma_start3A_447] : memref<16x2048xf32, #tpu.memory_space<vmem>> -> memref<16x1024xf32, #tpu.memory_space<vmem>>
        %dma_start3A_449 = arith.constant 2304 : i32
        %dma_start3A_450 = tpu.memref_slice %arg2[%add3A_421, %dma_start3A_449] : memref<16384x3328xf32, #tpu.memory_space<hbm>> -> memref<16x1024xf32, #tpu.memory_space<hbm>>
        %dma_start3A_451 = arith.constant 0 : i32
        %dma_start3A_452 = arith.constant 0 : i32
        %dma_start3A_453 = tpu.memref_slice %arg4[%dma_start3A_441, %dma_start3A_451, %dma_start3A_452] : memref<2x16x2048xf32, #tpu.memory_space<vmem>> -> memref<1x16x2048xf32, #tpu.memory_space<vmem>>
        %dma_start3A_454 = tpu.memref_squeeze %dma_start3A_453 : memref<1x16x2048xf32, #tpu.memory_space<vmem>> -> memref<16x2048xf32, #tpu.memory_space<vmem>>
        %dma_start3A_455 = arith.constant 0 : i32
        %dma_start3A_456 = arith.constant 1024 : i32
        %dma_start3A_457 = tpu.memref_slice %dma_start3A_454[%dma_start3A_455, %dma_start3A_456] : memref<16x2048xf32, #tpu.memory_space<vmem>> -> memref<16x1024xf32, #tpu.memory_space<vmem>>
        %dma_start3A_458 = arith.constant 2304 : i32
        %dma_start3A_459 = tpu.memref_slice %arg2[%add3A_421, %dma_start3A_458] : memref<16384x3328xf32, #tpu.memory_space<hbm>> -> memref<16x1024xf32, #tpu.memory_space<hbm>>
        tpu.enqueue_dma source(%dma_start3A_459 : memref<16x1024xf32, #tpu.memory_space<hbm>>) target(%dma_start3A_457 : memref<16x1024xf32, #tpu.memory_space<vmem>>) target_semaphore(%arg6 : memref<!tpu.dma_semaphore, #tpu.memory_space<semaphore_mem>>)
        %sub3A_460 = arith.constant 1 : i32
        %sub3A_461 = arith.subi %add3A_284, %sub3A_460 : i32
        %mul3A_462 = arith.constant 2 : i32
        %mul3A_463 = arith.muli %mul3A_462, %sub3A_461 : i32
        %add3A_464 = arith.constant 1 : i32
        %add3A_465 = arith.addi %mul3A_463, %add3A_464 : i32
        %mul3A_466 = arith.constant 16 : i32
        %mul3A_467 = arith.muli %add3A_465, %mul3A_466 : i32
        %add3A_468 = arith.addi %mul3A_2, %mul3A_467 : i32
        %dma_wait3A_469 = arith.constant 0 : i32
        %dma_wait3A_470 = arith.constant 0 : i32
        %dma_wait3A_471 = tpu.memref_slice %arg3[%add3A_468, %dma_wait3A_470] : memref<16384x2048xf32, #tpu.memory_space<hbm>> -> memref<16x2048xf32, #tpu.memory_space<hbm>>
        %dma_wait3A_472 = arith.constant 0 : i32
        %dma_wait3A_473 = arith.constant 0 : i32
        %dma_wait3A_474 = tpu.memref_slice %arg5[%arg1, %dma_wait3A_469, %dma_wait3A_472, %dma_wait3A_473] : memref<16x2x16x2048xf32, #tpu.memory_space<vmem_shared>> -> memref<1x1x16x2048xf32, #tpu.memory_space<vmem_shared>>
        %dma_wait3A_475 = tpu.memref_squeeze %dma_wait3A_474 : memref<1x1x16x2048xf32, #tpu.memory_space<vmem_shared>> -> memref<16x2048xf32, #tpu.memory_space<vmem_shared>>
        tpu.wait_dma2 semaphore(%arg12 : memref<!tpu.dma_semaphore, #tpu.memory_space<semaphore_mem>>) src(%dma_wait3A_475 : memref<16x2048xf32, #tpu.memory_space<vmem_shared>>) dst(%dma_wait3A_471 : memref<16x2048xf32, #tpu.memory_space<hbm>>)
        %sub3A_476 = arith.constant 1 : i32
        %sub3A_477 = arith.subi %add3A_284, %sub3A_476 : i32
        %add3A_478 = arith.constant 2 : i32
        %add3A_479 = arith.addi %sub3A_477, %add3A_478 : i32
        %mul3A_480 = arith.constant 2 : i32
        %mul3A_481 = arith.muli %mul3A_480, %add3A_479 : i32
        %add3A_482 = arith.constant 1 : i32
        %add3A_483 = arith.addi %mul3A_481, %add3A_482 : i32
        %mul3A_484 = arith.constant 16 : i32
        %mul3A_485 = arith.muli %add3A_483, %mul3A_484 : i32
        %add3A_486 = arith.addi %mul3A_2, %mul3A_485 : i32
        %dma_start3A_487 = arith.constant 0 : i32
        %dma_start3A_488 = arith.constant 0 : i32
        %dma_start3A_489 = arith.constant 0 : i32
        %dma_start3A_490 = tpu.memref_slice %arg5[%arg1, %dma_start3A_487, %dma_start3A_488, %dma_start3A_489] : memref<16x2x16x2048xf32, #tpu.memory_space<vmem_shared>> -> memref<1x1x16x2048xf32, #tpu.memory_space<vmem_shared>>
        %dma_start3A_491 = tpu.memref_squeeze %dma_start3A_490 : memref<1x1x16x2048xf32, #tpu.memory_space<vmem_shared>> -> memref<16x2048xf32, #tpu.memory_space<vmem_shared>>
        %dma_start3A_492 = arith.constant 0 : i32
        %dma_start3A_493 = arith.constant 0 : i32
        %dma_start3A_494 = tpu.memref_slice %dma_start3A_491[%dma_start3A_492, %dma_start3A_493] : memref<16x2048xf32, #tpu.memory_space<vmem_shared>> -> memref<16x1024xf32, #tpu.memory_space<vmem_shared>>
        %dma_start3A_495 = arith.constant 0 : i32
        %dma_start3A_496 = tpu.memref_slice %arg2[%add3A_486, %dma_start3A_495] : memref<16384x3328xf32, #tpu.memory_space<hbm>> -> memref<16x1024xf32, #tpu.memory_space<hbm>>
        tpu.enqueue_dma source(%dma_start3A_496 : memref<16x1024xf32, #tpu.memory_space<hbm>>) target(%dma_start3A_494 : memref<16x1024xf32, #tpu.memory_space<vmem_shared>>) target_semaphore(%arg10 : memref<!tpu.dma_semaphore, #tpu.memory_space<semaphore_mem>>)
        %dma_start3A_497 = arith.constant 0 : i32
        %dma_start3A_498 = arith.constant 0 : i32
        %dma_start3A_499 = arith.constant 0 : i32
        %dma_start3A_500 = tpu.memref_slice %arg5[%arg1, %dma_start3A_497, %dma_start3A_498, %dma_start3A_499] : memref<16x2x16x2048xf32, #tpu.memory_space<vmem_shared>> -> memref<1x1x16x2048xf32, #tpu.memory_space<vmem_shared>>
        %dma_start3A_501 = tpu.memref_squeeze %dma_start3A_500 : memref<1x1x16x2048xf32, #tpu.memory_space<vmem_shared>> -> memref<16x2048xf32, #tpu.memory_space<vmem_shared>>
        %dma_start3A_502 = arith.constant 0 : i32
        %dma_start3A_503 = arith.constant 1024 : i32
        %dma_start3A_504 = tpu.memref_slice %dma_start3A_501[%dma_start3A_502, %dma_start3A_503] : memref<16x2048xf32, #tpu.memory_space<vmem_shared>> -> memref<16x1024xf32, #tpu.memory_space<vmem_shared>>
        %dma_start3A_505 = arith.constant 2304 : i32
        %dma_start3A_506 = tpu.memref_slice %arg2[%add3A_486, %dma_start3A_505] : memref<16384x3328xf32, #tpu.memory_space<hbm>> -> memref<16x1024xf32, #tpu.memory_space<hbm>>
        tpu.enqueue_dma source(%dma_start3A_506 : memref<16x1024xf32, #tpu.memory_space<hbm>>) target(%dma_start3A_504 : memref<16x1024xf32, #tpu.memory_space<vmem_shared>>) target_semaphore(%arg10 : memref<!tpu.dma_semaphore, #tpu.memory_space<semaphore_mem>>)
      } else {
      }
    }
    %scan3A_130 = arith.constant 8 : i32
    %add3A_131 = arith.constant 448 : i32
    %add3A_132 = arith.addi %mul3A_2, %add3A_131 : i32
    %dma_wait3A = arith.constant 0 : i32
    %dma_wait3A_133 = arith.constant 0 : i32
    %dma_wait3A_134 = arith.constant 0 : i32
    %dma_wait3A_135 = tpu.memref_slice %arg4[%dma_wait3A, %dma_wait3A_133, %dma_wait3A_134] : memref<2x16x2048xf32, #tpu.memory_space<vmem>> -> memref<1x16x2048xf32, #tpu.memory_space<vmem>>
    %dma_wait3A_136 = tpu.memref_squeeze %dma_wait3A_135 : memref<1x16x2048xf32, #tpu.memory_space<vmem>> -> memref<16x2048xf32, #tpu.memory_space<vmem>>
    %dma_wait3A_137 = arith.constant 0 : i32
    %dma_wait3A_138 = tpu.memref_slice %arg3[%add3A_132, %dma_wait3A_137] : memref<16384x2048xf32, #tpu.memory_space<hbm>> -> memref<16x2048xf32, #tpu.memory_space<hbm>>
    %dma_wait3A_139 = arith.constant 0 : i32
    %dma_wait3A_140 = tpu.memref_slice %arg3[%add3A_132, %dma_wait3A_139] : memref<16384x2048xf32, #tpu.memory_space<hbm>> -> memref<16x2048xf32, #tpu.memory_space<hbm>>
    %dma_wait3A_141 = arith.constant 0 : i32
    %dma_wait3A_142 = arith.constant 0 : i32
    %dma_wait3A_143 = tpu.memref_slice %arg4[%dma_wait3A, %dma_wait3A_141, %dma_wait3A_142] : memref<2x16x2048xf32, #tpu.memory_space<vmem>> -> memref<1x16x2048xf32, #tpu.memory_space<vmem>>
    %dma_wait3A_144 = tpu.memref_squeeze %dma_wait3A_143 : memref<1x16x2048xf32, #tpu.memory_space<vmem>> -> memref<16x2048xf32, #tpu.memory_space<vmem>>
    tpu.wait_dma2 semaphore(%arg8 : memref<!tpu.dma_semaphore, #tpu.memory_space<semaphore_mem>>) src(%dma_wait3A_144 : memref<16x2048xf32, #tpu.memory_space<vmem>>) dst(%dma_wait3A_140 : memref<16x2048xf32, #tpu.memory_space<hbm>>)
    %add3A_145 = arith.constant 464 : i32
    %add3A_146 = arith.addi %mul3A_2, %add3A_145 : i32
    %dma_wait3A_147 = arith.constant 0 : i32
    %dma_wait3A_148 = arith.constant 0 : i32
    %dma_wait3A_149 = tpu.memref_slice %arg3[%add3A_146, %dma_wait3A_148] : memref<16384x2048xf32, #tpu.memory_space<hbm>> -> memref<16x2048xf32, #tpu.memory_space<hbm>>
    %dma_wait3A_150 = arith.constant 0 : i32
    %dma_wait3A_151 = arith.constant 0 : i32
    %dma_wait3A_152 = tpu.memref_slice %arg5[%arg1, %dma_wait3A_147, %dma_wait3A_150, %dma_wait3A_151] : memref<16x2x16x2048xf32, #tpu.memory_space<vmem_shared>> -> memref<1x1x16x2048xf32, #tpu.memory_space<vmem_shared>>
    %dma_wait3A_153 = tpu.memref_squeeze %dma_wait3A_152 : memref<1x1x16x2048xf32, #tpu.memory_space<vmem_shared>> -> memref<16x2048xf32, #tpu.memory_space<vmem_shared>>
    tpu.wait_dma2 semaphore(%arg12 : memref<!tpu.dma_semaphore, #tpu.memory_space<semaphore_mem>>) src(%dma_wait3A_153 : memref<16x2048xf32, #tpu.memory_space<vmem_shared>>) dst(%dma_wait3A_149 : memref<16x2048xf32, #tpu.memory_space<hbm>>)
    %add3A_154 = arith.constant 480 : i32
    %add3A_155 = arith.addi %mul3A_2, %add3A_154 : i32
    %dma_wait3A_156 = arith.constant 1 : i32
    %dma_wait3A_157 = arith.constant 0 : i32
    %dma_wait3A_158 = arith.constant 0 : i32
    %dma_wait3A_159 = tpu.memref_slice %arg4[%dma_wait3A_156, %dma_wait3A_157, %dma_wait3A_158] : memref<2x16x2048xf32, #tpu.memory_space<vmem>> -> memref<1x16x2048xf32, #tpu.memory_space<vmem>>
    %dma_wait3A_160 = tpu.memref_squeeze %dma_wait3A_159 : memref<1x16x2048xf32, #tpu.memory_space<vmem>> -> memref<16x2048xf32, #tpu.memory_space<vmem>>
    %dma_wait3A_161 = arith.constant 0 : i32
    %dma_wait3A_162 = tpu.memref_slice %arg3[%add3A_155, %dma_wait3A_161] : memref<16384x2048xf32, #tpu.memory_space<hbm>> -> memref<16x2048xf32, #tpu.memory_space<hbm>>
    %dma_wait3A_163 = arith.constant 0 : i32
    %dma_wait3A_164 = tpu.memref_slice %arg3[%add3A_155, %dma_wait3A_163] : memref<16384x2048xf32, #tpu.memory_space<hbm>> -> memref<16x2048xf32, #tpu.memory_space<hbm>>
    %dma_wait3A_165 = arith.constant 0 : i32
    %dma_wait3A_166 = arith.constant 0 : i32
    %dma_wait3A_167 = tpu.memref_slice %arg4[%dma_wait3A_156, %dma_wait3A_165, %dma_wait3A_166] : memref<2x16x2048xf32, #tpu.memory_space<vmem>> -> memref<1x16x2048xf32, #tpu.memory_space<vmem>>
    %dma_wait3A_168 = tpu.memref_squeeze %dma_wait3A_167 : memref<1x16x2048xf32, #tpu.memory_space<vmem>> -> memref<16x2048xf32, #tpu.memory_space<vmem>>
    tpu.wait_dma2 semaphore(%arg9 : memref<!tpu.dma_semaphore, #tpu.memory_space<semaphore_mem>>) src(%dma_wait3A_168 : memref<16x2048xf32, #tpu.memory_space<vmem>>) dst(%dma_wait3A_164 : memref<16x2048xf32, #tpu.memory_space<hbm>>)
    %add3A_169 = arith.constant 496 : i32
    %add3A_170 = arith.addi %mul3A_2, %add3A_169 : i32
    %dma_wait3A_171 = arith.constant 1 : i32
    %dma_wait3A_172 = arith.constant 0 : i32
    %dma_wait3A_173 = tpu.memref_slice %arg3[%add3A_170, %dma_wait3A_172] : memref<16384x2048xf32, #tpu.memory_space<hbm>> -> memref<16x2048xf32, #tpu.memory_space<hbm>>
    %dma_wait3A_174 = arith.constant 0 : i32
    %dma_wait3A_175 = arith.constant 0 : i32
    %dma_wait3A_176 = tpu.memref_slice %arg5[%arg1, %dma_wait3A_171, %dma_wait3A_174, %dma_wait3A_175] : memref<16x2x16x2048xf32, #tpu.memory_space<vmem_shared>> -> memref<1x1x16x2048xf32, #tpu.memory_space<vmem_shared>>
    %dma_wait3A_177 = tpu.memref_squeeze %dma_wait3A_176 : memref<1x1x16x2048xf32, #tpu.memory_space<vmem_shared>> -> memref<16x2048xf32, #tpu.memory_space<vmem_shared>>
    tpu.wait_dma2 semaphore(%arg13 : memref<!tpu.dma_semaphore, #tpu.memory_space<semaphore_mem>>) src(%dma_wait3A_177 : memref<16x2048xf32, #tpu.memory_space<vmem_shared>>) dst(%dma_wait3A_173 : memref<16x2048xf32, #tpu.memory_space<hbm>>)
    return
  }
}

</mosaic_0001>

<sc_bundles>
// kernel: kernel.3.cloned.1.call-start
scs
__scs_entry_jumppad:
0x0: {  	(pc) =	sbr.rel $0x88, $3  }
0x1: {  	(tag) =	ssettag $0x0;
	lr =	simm.s32 $0x1  }
0x2: {  	[smem:$0x3FA0] =	sst lr;
	_ =	strace $0xD0000000  }
0x3: {  	_ = 	snop  }
0x4: {  	_ = 	snop  }
0x5: {  	_ = 	snop  }
0x6: {  	_ = 	snop  }
0x7: {  	_ = 	snop  }
__scs_overlays_trampoline_lowered:
0x8: {  	[smem:$0x3FAF] =	sst s0  }
0x9: {  	[smem:$0x3FB0] =	sst s1  }
0xa: {  	[smem:$0x3FB1] =	sst s2  }
0xb: {  	[smem:$0x3FB2] =	sst s3  }
0xc: {  	[smem:$0x3FB3] =	sst s4  }
0xd: {  	[smem:$0x3FB4] =	sst s5  }
0xe: {  	[smem:$0x3FB5] =	sst s6  }
0xf: {  	[smem:$0x3FB6] =	sst s7  }
0x10: {  	[smem:$0x3FB7] =	sst s8  }
0x11: {  	[smem:$0x3FB8] =	sst s9;
	s0 =	simm.s32 @!p0 $0x0  }
0x12: {  	s1 =	sld [smem:$0x3F9E];
	s0 =	simm.s32 @p0 $0x1  }
0x13: {  	[smem:$0x3FB9] =	sst s0;
	s0 =	simm.s32 @!p1 $0x0  }
0x14: {  	s2 =	sld [smem:$0x3F9D];
	s0 =	simm.s32 @p1 $0x1  }
0x15: {  	[smem:$0x3FBA] =	sst s0;
	s0 =	simm.s32 @!p2 $0x0  }
0x16: {  	s3 =	sld [smem:$0x3FDB];
	s0 =	simm.s32 @p2 $0x1  }
0x17: {  	s4 =	simm.s32 $0x1BF5;
	[smem:$0x3FBC] =	sst s0  }
0x18: {  	s0 =	sld [smem:$0x3F9F];
	_ =	swait.ge [sflag:s4], $0x0  }
0x19: {  	s7 =	sld [smem:$0x3FA0]  }
0x1a: {  	s8 =	sadd.s32 $0xFFFFE003, lr  }
0x1b: {  	s9 =	sadd.s32 $0xFFFFFEF7, lr;
	s5 =	simm.s32 $0xFFFFFFFF;
	p2 =	slt.u32 s8, $0xFFFFF086  }
0x1c: {  	p1 =	slt.u32 s9, $0xF7A;
	s5 =	simm.s32 @!p2 $0x0  }
0x1d: {  	s5 =	simm.s32 @p1 $0x1;
	p0 =	seq.s32 s7, s2  }
0x1e: {  	s7 =	smul.u32 @!p0 $0xF7A, s2;
	p2 =	seq.s32 @!p0 s5, $0x0  }
0x1f: {  	s9 =	smul.u32 $0xF7A, s1;
	s8 =	simm.s32 @!p0 $0x1BF5;
	p2 =	por !p2, p0  }
0x20: {  	[sflag:s8] =	ssyncset.s32 @!p0 $0xFFFFF086;
	s6 =	sadd.s32 @!p0 s3, s7;
	s7 =	simm.s32 @!p0 $0x108  }
0x21: {  	s3 =	sadd.s32 s3, s9;
	s6 =	sadd.s32 @!p0 $0x88, s6;
	s7 =	simm.s32 @p2 $0x1082  }
0x22: {  	[simem:s7], [sflag:s8] =	dma.local @!p0 [hbm:s6], $0xF7A  }
0x23: {  	s9 =	sor.u32 $0xD0000000, s2;
	s6 =	simm.s32 $0x108;
	_ =	swait.ge @!p0 [sflag:s8], $0x0  }
0x24: {  	s3 =	sadd.s32 $0x88, s3;
	s6 =	simm.s32 @!p1 $0x1082;
	[sflag:s4] =	ssyncset.s32 $0xFFFFF086  }
0x25: {  	[simem:s6], [sflag:s4] =	dma.local [hbm:s3], $0xF7A  }
0x26: {  	[smem:$0x3FA0] =	sst s1;
	(tag) =	ssettag s2;
	_ =	strace s9  }
0x27: {  	s1 =	sld [smem:$0x3FB0]  }
0x28: {  	s2 =	sld [smem:$0x3FB1]  }
0x29: {  	s4 =	sld [smem:$0x3FB3]  }
0x2a: {  	p0 =	seq.s32 s5, $0x0;
	s5 =	sld [smem:$0x3FB4]  }
0x2b: {  	s6 =	sld [smem:$0x3FB5]  }
0x2c: {  	s7 =	sld [smem:$0x3FB6]  }
0x2d: {  	s3 =	simm.s32 $0x108;
	s8 =	sld [smem:$0x3FB7]  }
0x2e: {  	s3 =	simm.s32 @!p0 $0x1082;
	s9 =	sld [smem:$0x3FB8]  }
0x2f: {  	lr =	sadd.s32 s0, s3;
	s0 =	sld [smem:$0x3FAF]  }
0x30: {  	s3 =	sld [smem:$0x3FB2]  }
0x31: {  	[smem:$0x3FBB] =	sst s10  }
0x32: {  	s10 =	sld [smem:$0x3FB9];
	_ =	sdelay $0x3  }
0x33: {  	p0 =	seq.s32 s10, $0x1;
	s10 =	sld [smem:$0x3FBB];
	_ =	sdelay $0x3  }
0x34: {  	[smem:$0x3FBB] =	sst s10  }
0x35: {  	s10 =	sld [smem:$0x3FBA];
	_ =	sdelay $0x3  }
0x36: {  	p1 =	seq.s32 s10, $0x1;
	s10 =	sld [smem:$0x3FBB];
	_ =	sdelay $0x3  }
0x37: {  	[smem:$0x3FBB] =	sst s10  }
0x38: {  	s10 =	sld [smem:$0x3FBC]  }
0x39: {  	_ = 	snop;
	(pc) =	sbr.ind lr, $3  }
0x3a: {  	_ = 	snop  }
0x3b: {  	_ = 	snop  }
0x3c: {  	p2 =	seq.s32 s10, $0x1;
	s10 =	sld [smem:$0x3FBB]  }
0x3d: {  	_ =	shalt  }
0x3e: {  	_ =	shalt  }
0x3f: {  	_ =	shalt  }
0x40: {  	_ =	shalt  }
0x41: {  	_ =	shalt  }
0x42: {  	_ =	shalt  }
0x43: {  	_ =	shalt  }
0x44: {  	_ =	shalt  }
0x45: {  	_ =	shalt  }
0x46: {  	_ =	shalt  }
0x47: {  	_ =	shalt  }
0x48: {  	_ =	shalt  }
0x49: {  	_ =	shalt  }
0x4a: {  	_ =	shalt  }
0x4b: {  	_ =	shalt  }
0x4c: {  	_ =	shalt  }
0x4d: {  	_ =	shalt  }
0x4e: {  	_ =	shalt  }
0x4f: {  	_ =	shalt  }
0x50: {  	_ =	shalt  }
0x51: {  	_ =	shalt  }
0x52: {  	_ =	shalt  }
0x53: {  	_ =	shalt  }
0x54: {  	_ =	shalt  }
0x55: {  	_ =	shalt  }
0x56: {  	_ =	shalt  }
0x57: {  	_ =	shalt  }
0x58: {  	_ =	shalt  }
0x59: {  	_ =	shalt  }
0x5a: {  	_ =	shalt  }
0x5b: {  	_ =	shalt  }
0x5c: {  	_ =	shalt  }
0x5d: {  	_ =	shalt  }
0x5e: {  	_ =	shalt  }
0x5f: {  	_ =	shalt  }
0x60: {  	_ =	shalt  }
0x61: {  	_ =	shalt  }
0x62: {  	_ =	shalt  }
0x63: {  	_ =	shalt  }
0x64: {  	_ =	shalt  }
0x65: {  	_ =	shalt  }
0x66: {  	_ =	shalt  }
0x67: {  	_ =	shalt  }
0x68: {  	_ =	shalt  }
0x69: {  	_ =	shalt  }
0x6a: {  	_ =	shalt  }
0x6b: {  	_ =	shalt  }
0x6c: {  	_ =	shalt  }
0x6d: {  	_ =	shalt  }
0x6e: {  	_ =	shalt  }
0x6f: {  	_ =	shalt  }
0x70: {  	_ =	shalt  }
0x71: {  	_ =	shalt  }
0x72: {  	_ =	shalt  }
0x73: {  	_ =	shalt  }
0x74: {  	_ =	shalt  }
0x75: {  	_ =	shalt  }
0x76: {  	_ =	shalt  }
0x77: {  	_ =	shalt  }
0x78: {  	_ =	shalt  }
0x79: {  	_ =	shalt  }
0x7a: {  	_ =	shalt  }
0x7b: {  	_ =	shalt  }
0x7c: {  	_ =	shalt  }
0x7d: {  	_ =	shalt  }
0x7e: {  	_ =	shalt  }
0x7f: {  	_ =	shalt  }
0x80: {  	_ =	shalt  }
0x81: {  	_ =	shalt  }
0x82: {  	_ =	shalt  }
0x83: {  	_ =	shalt  }
0x84: {  	_ =	shalt  }
0x85: {  	_ =	shalt  }
0x86: {  	_ =	shalt  }
0x87: {  	_ =	shalt  }
.Lfunc_end0:
.L_simem_size_0:
called_computation_lowered:
.L_overlay_start_0:
0x88: {  	s2 =	sld [smem:$0x3FD9]  }
0x89: {  	s3 =	sld [smem:$0x3FFE];
	_ =	sdelay $0x1  }
0x8a: {  	s1 =	srdreg.scid  }
0x8b: {  	s0 =	sand.u32 $0x1, s1  }
0x8c: {  	s18 =	sshll.u32 s0, $0xA;
	s2 =	sadd.s32 s3, s2  }
0x8d: {  	s2 =	sadd.s32 s2, s18  }
0x8e: {  	[smem:$0x3FC7] =	sst s2  }
0x8f: {  	_ = 	snop  }
0x90: {  	s2 =	sld [smem:$0x3FC9]  }
0x91: {  	s19 =	sld [smem:$0x3FD0];
	(tm) =	ssettm $0x1  }
0x92: {  	s4 =	sld [smem:$0x3FFB];
	_ =	sdelay $0x3  }
0x93: {  	_ =	strace s4  }
0x94: {  	s4 =	sld [smem:$0x3FFC];
	_ =	sdelay $0x3  }
0x95: {  	_ =	strace s4  }
0x96: {  	s4 =	sld [smem:$0x3FFD];
	_ =	sdelay $0x3  }
0x97: {  	_ =	strace s4  }
0x98: {  	_ =	strace $0x8FFFFFFF  }
0x99: {  	s20 =	sld [smem:$0x3FDB];
	_ =	sdelay $0x1  }
0x9a: {  	s5 =	simm.s32 $_scs_section_size  }
0x9b: {  	s6 =	simm.s32 $_size__tile_overlayer_lowered;
	s7 =	simm.s32 $_tile_overlayer_lowered  }
0x9c: {  	s23 =	simm.s32 $0x1BFF;
	s22 =	sshll.u32 s7, $0x1;
	s4 =	sadd.s32 s5, s20  }
0x9d: {  	s8 =	simm.s32 $0x0;
	s21 =	sshll.u32 s6, $0x1;
	s6 =	sadd.s32 s22, s4  }
0x9e: {  	[timem:s8], [sflag:s23] =	dma.local [hbm:s6], s21  }
0x9f: {  	_ =	swait.ge [sflag:s23], s21  }
0xa0: {  	s5 =	ssub.s32 $0x0, s21;
	[sflag:s23] =	ssyncset.done $0x0  }
0xa1: {  	[sflag:s23] =	ssyncadd.s32 s5;
	_ =	sdelay $0x1  }
0xa2: {  	s24 =	simm.s32 $0x1B8B  }
0xa3: {  	_ =	swait.ge [sflag:s24], $0x1  }
0xa4: {  	[sflag:s24] =	ssyncset.done $0x0  }
0xa5: {  	s25 =	simm.s32 $0x1B8E;
	[sflag:s24] =	ssyncadd.s32 $0xFFFFFFFF  }
0xa6: {  	s26 =	simm.s32 $execute0_lowered;
	[smem:$0x3FD2] =	sst s25  }
0xa7: {  	s5 =	sshll.u32 s26, $0x1;
	_ =	strace $0x80000046;
	[dreg:$0x1] =	wrdreg $0xFFFFFFFF  }
0xa8: {  	s28 =	simm.s32 $_size_execute0_lowered;
	s4 =	sadd.s32 s4, s5;
	[dreg:$0x0] =	wrdreg $0x0  }
0xa9: {  	s5 =	sshll.u32 s28, $0x1;
	[dreg:$0x2] =	wrdreg s4  }
0xaa: {  	[dreg:$0x3] =	wrdreg s5  }
0xab: {  	[dreg:$0x4] =	wrdreg $0xC0  }
0xac: {  	_ =	task [dreg:s8], $0x5FFFF  }
0xad: {  	[dreg:$0x1] =	wrdreg $0xFFFFFFFF  }
0xae: {  	[dreg:$0x0] =	wrdreg $0x60  }
0xaf: {  	[dreg:$0x2] =	wrdreg s2  }
0xb0: {  	[dreg:$0x3] =	wrdreg s19  }
0xb1: {  	[dreg:$0x4] =	wrdreg $0x100000  }
0xb2: {  	[dreg:$0x5] =	wrdreg $0x9  }
0xb3: {  	_ =	task.clear_ibuf [dreg:s8], $0x6FFFF;
	_ =	strace $0x90000046  }
0xb4: {  	s29 =	simm.s32 $0x9;
	_ =	strace $0x80000048  }
0xb5: {  	_ =	swait.ge [sflag:s29], $0x1  }
0xb6: {  	[sflag:s29] =	ssyncadd.s32 $0xFFFFFFFF  }
0xb7: {  	_ =	strace $0x90000048  }
0xb8: {  	_ =	sfence  }
0xb9: {  	s30 =	sld [smem:$0x0];
	_ =	sdelay $0x2  }
0xba: {  	s31 =	sshll.u32 s1, $0xD;
	s1 =	sshrl.u32 s1, $0x2  }
0xbb: {  	s3 =	sand.u32 $0x4000, s31;
	s1 =	sadd.s32 s1, s30  }
0xbc: {  	s0 =	sor.u32 s3, s0;
	s1 =	sshll.u32 s1, $0x11  }
0xbd: {  	s0 =	sor.u32 s1, s0  }
0xbe: {  	s0 =	sadd.s32 $0x8F2B, s0  }
0xbf: {  	[sflag:s0] =	ssyncadd.remote.s32 $0x1  }
0xc0: {  	_ =	sfence.sel $0xFFFF  }
0xc1: {  	[dreg:$0x0] =	wrdreg $0xFFFFFFFF;
	(pc) =	sbr.abs _section_cstart, $3  }
0xc2: {  	[dreg:$0x1] =	wrdreg $0xFFFFFFFF  }
0xc3: {  	_ =	task.clear_ibuf [dreg:s8], $0x2FFFF;
	_ =	strace $0x9FFFFFFF  }
0xc4: {  	(tm) =	ssettm $0x7FFFFFFF  }
0xc5: {  	_ =	shalt  }
tec
execute0_lowered:
.L_overlay_start_1:
0x0: {  	(tag) =	ssettag $0x1  }
0x1: {  	s0 =	srdreg.scid;
	s1 =	rddreg [dreg:$0x0]  }
0x2: {  	s10 =	stileid.u32;
	s3 =	rddreg [dreg:$0x1]  }
0x3: {  	s5 =	rddreg [dreg:$0x2];
	s28 =	simm.s32 $0x40;
	s29 =	simm.s32 $0x800  }
0x4: {  	s30 =	simm.s32 $0xD00;
	s31 =	simm.s32 $0x8000;
	s0 =	sand.u32 $0x1, s0  }
0x5: {  	s2 =	sshll.u32 s10, $0xA;
	s8 =	sshll.u32 s10, $0x12;
	s4 =	sshll.u32 s0, $0x9  }
0x6: {  	s7 =	ssub.s32 $0x2, s0;
	s13 =	sshrl.u32 s8, $0x2;
	s3 =	sadd.s32 s8, s3  }
0x7: {  	s0 =	sshll.u32 s0, $0x11;
	s8 =	simm.s32 $0x7;
	s4 =	sor.u32 s4, s2  }
0x8: {  	s2 =	simm.s32 $0x0;
	s9 =	sshrl.u32 s7, $0x1;
	s5 =	sadd.s32 s13, s5  }
0x9: {  	s0 =	sadd.s32 s0, s3;
	s6 =	sshrl.u32 s4, $0x3;
	[smem:$0x7FF] =	sst s2  }
0xa: {  	s7 =	ssub.s32 s7, s9;
	s17 =	sadd.s32 $0x2000, s5;
	s11 =	sadd.s32 $0x8000, s5  }
0xb: {  	s6 =	smul.u32 $0x6800, s6;
	_ =	strace $0x80000047;
	[dreg:$0x9] =	wrdreg s17  }
0xc: {  	s24 =	sor.u32 $0x50, s4;
	s26 =	sor.u32 $0x40, s4;
	[dreg:$0x6] =	wrdreg s5  }
0xd: {  	s22 =	smax.u32 s7, $0x1;
	[dreg:$0x11] =	wrdreg s0;
	s6 =	sshrl.u32 s6, $0x3  }
0xe: {  	s4 =	sor.u32 $0x20, s4;
	[dreg:$0xe] =	wrdreg s22;
	s12 =	sadd.s32 s1, s6  }
0xf: {  	s9 =	simm.s32 $0x0;
	s14 =	sadd.s32 $0x900, s12;
	[dreg:$0x4] =	wrdreg s12  }
0x10: {  	s4 =	sshrl.u32 s4, $0x3;
	s15 =	sadd.s32 $0x1A00, s12;
	[dreg:$0x5] =	wrdreg s14  }
0x11: {  	s0 =	simm.s32 $0x1;
	s16 =	sadd.s32 $0x2300, s12;
	[dreg:$0x7] =	wrdreg s15  }
0x12: {  	s7 =	simm.s32 $0x3;
	s18 =	sadd.s32 $0x3400, s12;
	[dreg:$0x8] =	wrdreg s16  }
0x13: {  	s4 =	smul.u32 $0xD00, s4;
	s19 =	sadd.s32 $0x3D00, s12;
	[dreg:$0xa] =	wrdreg s18  }
0x14: {  	s6 =	sshrl.u32 s26, $0x3;
	s20 =	sadd.s32 $0x4E00, s12;
	[dreg:$0xb] =	wrdreg s19  }
0x15: {  	s26 =	simm.s32 $0x6000;
	s21 =	sadd.s32 $0x5700, s12;
	[dreg:$0xc] =	wrdreg s20  }
0x16: {  	s23 =	sadd.s32 $0xD00, s12;
	s6 =	smul.u32 $0xD00, s6;
	[dreg:$0xd] =	wrdreg s21  }
.Ltmp0:
0x17: {  	s25 =	sadd.s32 $0x1600, s12;
	[dreg:$0xf] =	wrdreg s23;
	(pc) =	sbr.rel .LBB2_1-.Ltmp0, $4  }
0x18: {  	s14 =	sadd.s32 $0xA000, s5;
	[dreg:$0x10] =	wrdreg s25;
	s5 =	sshrl.u32 s24, $0x3  }
0x19: {  	s18 =	sshll.u32 s10, $0x6;
	s23 =	sadd.s32 s4, s1;
	s5 =	smul.u32 $0xD00, s5  }
0x1a: {  	s4 =	simm.s32 $0x2;
	s19 =	sor.u32 $0x1C05, s18;
	s21 =	sadd.s32 s6, s1  }
0x1b: {  	s6 =	simm.s32 $0x6;
	s20 =	sadd.s32 s5, s1;
	s1 =	simm.s32 $0x5  }
.LBB2_4:
0x1c: {  	_ =	swait.ge [sflag:s8], $0x1000  }
0x1d: {  	[sflag:s8] =	ssyncset.done $0x0  }
0x1e: {  	s3 =	simm.s32 $0x4;
	[sflag:s8] =	ssyncadd.s32 $0xFFFFF000  }
0x1f: {  	_ =	swait.ge [sflag:s3], $0x8000  }
0x20: {  	[sflag:s3] =	ssyncset.done $0x0  }
0x21: {  	s5 =	simm.s32 $0x8;
	[sflag:s3] =	ssyncadd.s32 $0xFFFF8000  }
0x22: {  	_ =	swait.ge [sflag:s5], $0x1000  }
0x23: {  	s9 =	rddreg [dreg:$0x12]  }
0x24: {  	s25 =	rddreg [dreg:$0xe];
	s9 =	sadd.s32 $0x1, s9  }
0x25: {  	p0 =	sne.s32 s9, s25  }
.Ltmp1:
0x26: {  	_ = 	snop;
	(pc) =	sbr.rel @!p0 .LBB2_5-.Ltmp1, $3  }
0x27: {  	_ =	sdelay $0x1  }
0x28: {  	[sflag:s5] =	ssyncset.done $0x0  }
0x29: {  	[sflag:s5] =	ssyncadd.s32 $0xFFFFF000  }
.LBB2_1:
0x2a: {  	[dreg:$0x12] =	wrdreg s9  }
0x2b: {  	s3 =	rddreg [dreg:$0x4]  }
0x2c: {  	s15 =	rddreg [dreg:$0xf]  }
0x2d: {  	s16 =	rddreg [dreg:$0x5]  }
0x2e: {  	[tilespmem:s2], [sflag:$0x1] =	stream.linear.gather [hbm4b:s3+s2], $0x2000, $0x38;
	v63 =	vld [tilespmem:$0x0]  }
0x2f: {  	s5 =	simm.s32 $0x4000;
	s22 =	rddreg [dreg:$0x10]  }
0x30: {  	[tilespmem:s5], [sflag:$0x1] =	stream.linear.gather [hbm4b:s15+s2], $0x2000, $0x38;
	v63 =	vld [tilespmem:$0x0]  }
0x31: {  	s17 =	simm.s32 $0x2000;
	s24 =	rddreg [dreg:$0x6]  }
0x32: {  	[tilespmem:s17], [sflag:$0x1] =	stream.linear.gather [hbm4b:s16+s2], $0x2000, $0x38;
	v63 =	vld [tilespmem:$0x0]  }
0x33: {  	s25 =	rddreg [dreg:$0x7];
	s16 =	sshrl.u32 s24, $0x3  }
0x34: {  	[tilespmem:s26], [sflag:$0x1] =	stream.linear.gather [hbm4b:s22+s2], $0x2000, $0x38;
	v63 =	vld [tilespmem:$0x0]  }
0x35: {  	[spmem:s16@s29], [sflag:s19] =	dma.strided [hbm:s25@s30], $0x800, s28, $0x10   }
0x36: {  	s3 =	rddreg [dreg:$0x9]  }
0x37: {  	s5 =	rddreg [dreg:$0x8];
	s17 =	sshrl.u32 s3, $0x3  }
0x38: {  	[spmem:s17@s29], [sflag:s19] =	dma.strided [hbm:s5@s30], $0x800, s28, $0x10   }
0x39: {  	s3 =	rddreg [dreg:$0xa]  }
0x3a: {  	[tilespmem:s31], [sflag:$0x2] =	stream.linear.gather [hbm4b:s3+s2], $0x2000, $0x38;
	v63 =	vld [tilespmem:$0x0]  }
0x3b: {  	s9 =	simm.s32 $0xC000;
	s12 =	simm.s32 $0xA000;
	s3 =	sadd.s32 $0xD00, s3  }
0x3c: {  	[tilespmem:s9], [sflag:$0x2] =	stream.linear.gather [hbm4b:s3+s2], $0x2000, $0x38;
	v63 =	vld [tilespmem:$0x0]  }
0x3d: {  	s13 =	simm.s32 $0xE000;
	s22 =	sshrl.u32 s11, $0x3;
	s10 =	rddreg [dreg:$0xb]  }
0x3e: {  	[tilespmem:s12], [sflag:$0x2] =	stream.linear.gather [hbm4b:s10+s2], $0x2000, $0x38;
	v63 =	vld [tilespmem:$0x0]  }
0x3f: {  	s5 =	sor.u32 $0x1C06, s18;
	s15 =	rddreg [dreg:$0xc];
	s3 =	sadd.s32 $0xD00, s10  }
0x40: {  	[tilespmem:s13], [sflag:$0x2] =	stream.linear.gather [hbm4b:s3+s2], $0x2000, $0x38;
	v63 =	vld [tilespmem:$0x0]  }
0x41: {  	[spmem:s22@s29], [sflag:s5] =	dma.strided [hbm:s15@s30], $0x800, s28, $0x10   }
0x42: {  	s24 =	sshrl.u32 s14, $0x3;
	s25 =	rddreg [dreg:$0xd]  }
0x43: {  	[spmem:s24@s29], [sflag:s5] =	dma.strided [hbm:s25@s30], $0x800, s28, $0x10   }
0x44: {  	s12 =	simm.s32 $0x0;
	s3 =	rddreg [dreg:$0x11]  }
.LBB2_2:
0x45: {  	_ =	swait.ge [sflag:s0], $0x4000  }
0x46: {  	[sflag:s0] =	ssyncset.done $0x0  }
0x47: {  	[sflag:s0] =	ssyncadd.s32 $0xFFFFC000  }
0x48: {  	_ =	swait.ge [sflag:s0], $0x4000  }
0x49: {  	[sflag:s0] =	ssyncset.done $0x0  }
0x4a: {  	[sflag:s0] =	ssyncadd.s32 $0xFFFFC000  }
0x4b: {  	[hbm4b:s3+s2] =	stream.linear.scatter [tilespmem:s2], [sflag:$0x3], $0x8000, $0x38;
	v63 =	vld [tilespmem:$0x0]  }
0x4c: {  	_ =	swait.ge [sflag:s1], $0x800  }
0x4d: {  	[sflag:s1] =	ssyncset.done $0x0  }
0x4e: {  	[sflag:s1] =	ssyncadd.s32 $0xFFFFF800  }
0x4f: {  	_ =	swait.ge [sflag:s1], $0x800  }
0x50: {  	s13 =	sadd.s32 $0x1000, s3;
	[sflag:s1] =	ssyncset.done $0x0  }
0x51: {  	s9 =	sor.u32 $0x1C07, s18;
	p0 =	seq.s32 s12, $0x0;
	[sflag:s1] =	ssyncadd.s32 $0xFFFFF800  }
0x52: {  	[hbm:s13], [sflag:s9] =	dma.local [spmem:s16], $0x1000  }
0x53: {  	s9 =	simm.s32 @!p0 $0x4  }
0x54: {  	_ =	swait.ge @!p0 [sflag:s9], $0x8000  }
0x55: {  	s10 =	simm.s32 @!p0 $0x8000;
	[sflag:s9] =	ssyncset.done @!p0 $0x0  }
0x56: {  	s13 =	simm.s32 @!p0 $0x0;
	[sflag:s9] =	ssyncadd.s32 @!p0 $0xFFFF8000;
	s9 =	sadd.s32 @!p0 s12, s23  }
0x57: {  	[tilespmem:s10], [sflag:$0x2] =	stream.linear.gather @!p0 [hbm4b:s9+s13], $0x2000, $0x38;
	v63 =	vld [tilespmem:$0x0]  }
0x58: {  	s15 =	simm.s32 @!p0 $0xC000;
	s10 =	sadd.s32 @!p0 $0xD00, s9  }
0x59: {  	[tilespmem:s15], [sflag:$0x2] =	stream.linear.gather @!p0 [hbm4b:s10+s13], $0x2000, $0x38;
	v63 =	vld [tilespmem:$0x0]  }
0x5a: {  	s10 =	sadd.s32 @!p0 $0x900, s9;
	s15 =	simm.s32 @!p0 $0xA000  }
0x5b: {  	[tilespmem:s15], [sflag:$0x2] =	stream.linear.gather @!p0 [hbm4b:s10+s13], $0x2000, $0x38;
	v63 =	vld [tilespmem:$0x0]  }
0x5c: {  	s10 =	sadd.s32 @!p0 $0x1600, s9;
	s15 =	simm.s32 @!p0 $0xE000  }
0x5d: {  	[tilespmem:s15], [sflag:$0x2] =	stream.linear.gather @!p0 [hbm4b:s10+s13], $0x2000, $0x38;
	v63 =	vld [tilespmem:$0x0]  }
0x5e: {  	s10 =	simm.s32 @!p0 $0x8  }
0x5f: {  	s24 =	simm.s32 @!p0 $0x800;
	_ =	swait.ge @!p0 [sflag:s10], $0x1000  }
0x60: {  	s25 =	simm.s32 @!p0 $0xD00;
	s13 =	sshrl.u32 @!p0 s11, $0x3;
	[sflag:s10] =	ssyncset.done @!p0 $0x0  }
0x61: {  	s15 =	simm.s32 @!p0 $0x40;
	[sflag:s10] =	ssyncadd.s32 @!p0 $0xFFFFF000;
	s10 =	sadd.s32 @!p0 $0x1A00, s9  }
0x62: {  	[spmem:s13@s24], [sflag:s5] =	dma.strided @!p0 [hbm:s10@s25], $0x800, s15, $0x10   }
0x63: {  	s9 =	sadd.s32 @!p0 $0x2300, s9;
	s10 =	sshrl.u32 @!p0 s14, $0x3  }
0x64: {  	[spmem:s10@s24], [sflag:s5] =	dma.strided @!p0 [hbm:s9@s25], $0x800, s15, $0x10   }
0x65: {  	_ =	swait.ge [sflag:s4], $0x4000  }
0x66: {  	[sflag:s4] =	ssyncset.done $0x0  }
0x67: {  	[sflag:s4] =	ssyncadd.s32 $0xFFFFC000  }
0x68: {  	_ =	swait.ge [sflag:s4], $0x4000  }
0x69: {  	[sflag:s4] =	ssyncset.done $0x0  }
0x6a: {  	s15 =	sadd.s32 $0x2000, s3;
	[sflag:s4] =	ssyncadd.s32 $0xFFFFC000  }
0x6b: {  	[hbm4b:s15+s2] =	stream.linear.scatter [tilespmem:s31], [sflag:$0x4], $0x8000, $0x38;
	v63 =	vld [tilespmem:$0x0]  }
0x6c: {  	_ =	swait.ge [sflag:s6], $0x800  }
0x6d: {  	[sflag:s6] =	ssyncset.done $0x0  }
0x6e: {  	[sflag:s6] =	ssyncadd.s32 $0xFFFFF800  }
0x6f: {  	_ =	swait.ge [sflag:s6], $0x800  }
0x70: {  	s24 =	sadd.s32 $0x3000, s3;
	p0 =	seq.s32 s12, $0x2D800;
	[sflag:s6] =	ssyncset.done $0x0  }
.Ltmp2:
0x71: {  	s25 =	sor.u32 $0x1C08, s18;
	[sflag:s6] =	ssyncadd.s32 $0xFFFFF800;
	(pc) =	sbr.rel @p0 .LBB2_4-.Ltmp2, $4  }
0x72: {  	[hbm:s24], [sflag:s25] =	dma.local [spmem:s22], $0x1000  }
0x73: {  	_ =	swait.ge [sflag:s7], $0x8000  }
0x74: {  	[sflag:s7] =	ssyncset.done $0x0  }
0x75: {  	[sflag:s7] =	ssyncadd.s32 $0xFFFF8000  }
0x76: {  	s9 =	sadd.s32 s12, s21  }
0x77: {  	[tilespmem:s2], [sflag:$0x1] =	stream.linear.gather [hbm4b:s9+s2], $0x2000, $0x38;
	v63 =	vld [tilespmem:$0x0]  }
0x78: {  	s13 =	simm.s32 $0x4000;
	s10 =	sadd.s32 $0xD00, s9  }
0x79: {  	[tilespmem:s13], [sflag:$0x1] =	stream.linear.gather [hbm4b:s10+s2], $0x2000, $0x38;
	v63 =	vld [tilespmem:$0x0]  }
0x7a: {  	s24 =	simm.s32 $0x2000;
	s15 =	sadd.s32 $0x900, s9  }
0x7b: {  	[tilespmem:s24], [sflag:$0x1] =	stream.linear.gather [hbm4b:s15+s2], $0x2000, $0x38;
	v63 =	vld [tilespmem:$0x0]  }
0x7c: {  	s9 =	sadd.s32 $0x1600, s9  }
0x7d: {  	[tilespmem:s26], [sflag:$0x1] =	stream.linear.gather [hbm4b:s9+s2], $0x2000, $0x38;
	v63 =	vld [tilespmem:$0x0]  }
.Ltmp3:
0x7e: {  	_ =	swait.ge [sflag:s8], $0x1000;
	(pc) =	sbr.rel .LBB2_2-.Ltmp3, $4  }
0x7f: {  	s25 =	sadd.s32 s12, s20;
	s12 =	sadd.s32 $0x6800, s12;
	[sflag:s8] =	ssyncset.done $0x0  }
0x80: {  	s3 =	sadd.s32 $0x4000, s3;
	s9 =	sadd.s32 $0x900, s25;
	[sflag:s8] =	ssyncadd.s32 $0xFFFFF000  }
0x81: {  	[spmem:s16@s29], [sflag:s19] =	dma.strided [hbm:s25@s30], $0x800, s28, $0x10   }
0x82: {  	[spmem:s17@s29], [sflag:s19] =	dma.strided [hbm:s9@s30], $0x800, s28, $0x10   }
.LBB2_5:
0x83: {  	_ =	sfence.sel $0x180000  }
0x84: {  	[bflag:$0x0] =	sbarrier.arrive $0xFFFF  }
0x85: {  	_ =	strace $0x90000047  }
0x86: {  	s0 =	stileid.u32;
	[bflag:$0x2] =	sbarrier.arrive $0xFFFF  }
0x87: {  	p0 =	sne.s32 s0, $0x0;
	s0 =	rddreg [dreg:$0x3]  }
0x88: {  	s0 =	sadd.s32 @!p0 $0x100000, s0  }
0x89: {  	[sflag:s0] =	ssyncadd.tile.s32 @!p0 $0x1;
	_ =	shalt  }
.Lfunc_end2:
_tile_overlayer_lowered:
.L_overlay_start_2:
0x8a: {  	(tag) =	ssettag $0x2  }
0x8b: {  	s0 =	rddreg [dreg:$0x0];
	s2 =	stileid.u32  }
0x8c: {  	s1 =	rddreg [dreg:$0x1];
	p0 =	sne.s32 s2, $0x0  }
0x8d: {  	s3 =	rddreg [dreg:$0x2];
	[bflag:$0x3] =	sbarrier.arrive $0xFFFF;
	s2 =	simm.s32 @!p0 $0x1C09  }
0x8e: {  	[timem:s3], [sflag:s2] =	dma.local @!p0 [hbm:s0], s1  }
0x8f: {  	s0 =	simm.s32 @!p0 $0x9  }
0x90: {  	_ =	swait.ge @!p0 [sflag:s0], s1  }
0x91: {  	s1 =	ssub.s32 @!p0 $0x0, s1;
	[sflag:s0] =	ssyncset.done @!p0 $0x0  }
0x92: {  	[sflag:s0] =	ssyncadd.s32 @!p0 s1  }
0x93: {  	[bflag:$0x3] =	sbarrier.arrive $0xFFFF  }
0x94: {  	_ =	shalt  }

</sc_bundles>
